<compile_context>
chip_gen: v7x
topology: tpu7x:2x2x1
jax: 0.10.2.dev20260603
libtpu: 0.0.44.dev20260713+nightly
codegen_flags: <defaults>
</compile_context>

<pallas_src>
import functools

import jax
import jax.numpy as jnp
from jax import lax
from jax.experimental import pallas as pl
from jax.experimental.pallas import tpu as pltpu
from jax.experimental.pallas import tpu_sc as plsc

N_RULES = 1000
D_MODEL = 512
BATCH = 1024
SEQ = 200

NW = 32
ROWS = SEQ * BATCH
ROWS_PER_W = ROWS // NW
CHUNK = 64
HALF = CHUNK // 2
CHUNKS_PER_W = ROWS_PER_W // CHUNK


def _make_sc_gather():
    mesh = plsc.VectorSubcoreMesh(core_axis_name="c", subcore_axis_name="s")

    @functools.partial(
        pl.kernel,
        mesh=mesh,
        out_type=jax.ShapeDtypeStruct((ROWS, D_MODEL), jnp.float32),
        scratch_types=[
            pltpu.VMEM((CHUNKS_PER_W, CHUNK), jnp.int32),
            pltpu.VMEM((2, CHUNK, D_MODEL), jnp.float32),
            pltpu.VMEM_SHARED((16, 2, HALF, D_MODEL), jnp.float32),
            pltpu.SemaphoreType.DMA,
            pltpu.SemaphoreType.DMA,
            pltpu.SemaphoreType.DMA,
            pltpu.SemaphoreType.DMA,
        ],
    )
    def k(table_hbm, idx_hbm, out_hbm, idx_v, rows_v, stage_sh,
          gsem0, gsem1, wsem0, wsem1):
        sid = lax.axis_index("s")
        wid = sid * 2 + lax.axis_index("c")
        base = wid * ROWS_PER_W
        slots = stage_sh.at[sid]

        pltpu.sync_copy(idx_hbm.at[wid], idx_v)
        gsems = (gsem0, gsem1)
        wsems = (wsem0, wsem1)

        pltpu.async_copy(table_hbm.at[idx_v.at[0]], rows_v.at[0], gsem0)

        def step(j2, carry):
            for s in (0, 1):
                j = j2 * 2 + s
                nxt = j + 1

                @pl.when(nxt < CHUNKS_PER_W)
                def _():
                    pltpu.async_copy(
                        table_hbm.at[idx_v.at[nxt]], rows_v.at[1 - s],
                        gsems[1 - s],
                    )

                pltpu.make_async_copy(
                    table_hbm.at[idx_v.at[j]], rows_v.at[s], gsems[s]
                ).wait()

                for h in (0, 1):
                    @pl.when(j >= 1)
                    def _():
                        pltpu.make_async_copy(
                            slots.at[h], out_hbm.at[pl.ds(base, HALF)],
                            wsems[h],
                        ).wait()

                    pltpu.sync_copy(
                        rows_v.at[s].at[pl.ds(h * HALF, HALF)], slots.at[h]
                    )
                    pltpu.async_copy(
                        slots.at[h],
                        out_hbm.at[pl.ds(base + j * CHUNK + h * HALF, HALF)],
                        wsems[h],
                    )
            return carry

        lax.fori_loop(0, CHUNKS_PER_W // 2, step, 0)

        for h in (0, 1):
            pltpu.make_async_copy(
                slots.at[h], out_hbm.at[pl.ds(base, HALF)], wsems[h]
            ).wait()

    return k


_sc_gather = _make_sc_gather()


def kernel(states_batch, rule_embedding):
    idx_t = states_batch.T.reshape(NW, CHUNKS_PER_W, CHUNK)
    out = _sc_gather(rule_embedding, idx_t)
    return out.reshape(SEQ, BATCH, D_MODEL)

# --- scband reference (transcript-rebuilt; emitter-appended) ---
"""Pipeline reference for scband-rule-encoder-67508295959246 (READ-ONLY COPY).

The authoritative reference and input builder live on the scoring server;
editing this copy changes nothing except your own understanding.
"""

import jax, jax.numpy as jnp
import numpy as np

N_RULES = 1000
D_MODEL = 512
BATCH = 1024
SEQ = 200


def setup_inputs(seed: int = 0) -> dict:
    key = jax.random.key(seed)
    k1, k2 = jax.random.split(key)
    # states_batch: pre-tokenized rule indices (rule2idx applied), padded to max seq len
    states_batch = jax.random.randint(k1, (BATCH, SEQ), 0, N_RULES, dtype=jnp.int32)
    # learned parameter: rule embedding table sized [n_rules, d_model]
    rule_embedding = jax.random.normal(k2, (N_RULES, D_MODEL), dtype=jnp.float32)
    return {"states_batch": states_batch, "rule_embedding": rule_embedding}


def reference(states_batch, rule_embedding):
    # nn.Embedding lookup per state sequence: table[idx]
    states_encoded = jnp.take(rule_embedding, states_batch, axis=0)  # [B, L, d_model]
    # pad_sequence(batch_first=True) already realized by fixed-width batch;
    # then .transpose(0, 1) -> [L, B, d_model]
    states_encoded = jnp.transpose(states_encoded, (1, 0, 2))
    return states_encoded

if __name__ == "__main__":
    import jax
    _d = setup_inputs()
    print(jax.jit(kernel)(*tuple(_d.values())))

</pallas_src>

<mosaic_0001>
#map = affine_map<(d0, d1) -> (0, 0)>
#map1 = affine_map<(d0, d1) -> (0, 0, 0)>
module attributes {stable_mosaic.version = 14 : i64} {
  func.func @k(%arg0: i32, %arg1: i32, %arg2: memref<1000x512xf32, #tpu.memory_space<hbm>>, %arg3: memref<32x100x64xi32, #tpu.memory_space<hbm>>, %arg4: memref<204800x512xf32, #tpu.memory_space<hbm>>, %arg5: memref<100x64xi32, #tpu.memory_space<vmem>>, %arg6: memref<2x64x512xf32, #tpu.memory_space<vmem>>, %arg7: memref<16x2x32x512xf32, #tpu.memory_space<vmem_shared>>, %arg8: memref<!tpu.dma_semaphore, #tpu.memory_space<semaphore_mem>>, %arg9: memref<!tpu.dma_semaphore, #tpu.memory_space<semaphore_mem>>, %arg10: memref<!tpu.dma_semaphore, #tpu.memory_space<semaphore_mem>>, %arg11: memref<!tpu.dma_semaphore, #tpu.memory_space<semaphore_mem>>) attributes {dimension_semantics = [#tpu.dimension_semantics<core_parallel>, #tpu.dimension_semantics<subcore_parallel>], iteration_bounds = array<i64: 2, 16>, scalar_prefetch = 0 : i64, scratch_operands = 7 : i64, tpu.core_type = #tpu.core_type<sc_vector_subcore>, window_params = [{transform_indices = #map}, {transform_indices = #map1}, {transform_indices = #map}]} {
    %mul3A = arith.constant 2 : i32
    %mul3A_0 = arith.muli %arg1, %mul3A : i32
    %add3A = arith.addi %mul3A_0, %arg0 : i32
    %mul3A_1 = arith.constant 6400 : i32
    %mul3A_2 = arith.muli %add3A, %mul3A_1 : i32
    "tpu.region"() ({
      %run_scoped3A = tpu.sem_alloc : memref<!tpu.dma_semaphore, #tpu.memory_space<semaphore_mem>>
      %dma_start3A_42 = arith.constant 0 : i32
      %dma_start3A_43 = arith.constant 0 : i32
      %dma_start3A_44 = tpu.memref_slice %arg3[%add3A, %dma_start3A_42, %dma_start3A_43] : memref<32x100x64xi32, #tpu.memory_space<hbm>> -> memref<1x100x64xi32, #tpu.memory_space<hbm>>
      %dma_start3A_45 = tpu.memref_squeeze %dma_start3A_44 : memref<1x100x64xi32, #tpu.memory_space<hbm>> -> memref<100x64xi32, #tpu.memory_space<hbm>>
      %dma_start3A_46 = arith.constant 0 : i32
      %dma_start3A_47 = arith.constant 0 : i32
      %dma_start3A_48 = tpu.memref_slice %arg3[%add3A, %dma_start3A_46, %dma_start3A_47] : memref<32x100x64xi32, #tpu.memory_space<hbm>> -> memref<1x100x64xi32, #tpu.memory_space<hbm>>
      %dma_start3A_49 = tpu.memref_squeeze %dma_start3A_48 : memref<1x100x64xi32, #tpu.memory_space<hbm>> -> memref<100x64xi32, #tpu.memory_space<hbm>>
      tpu.enqueue_dma source(%dma_start3A_49 : memref<100x64xi32, #tpu.memory_space<hbm>>) target(%arg5 : memref<100x64xi32, #tpu.memory_space<vmem>>) target_semaphore(%run_scoped3A : memref<!tpu.dma_semaphore, #tpu.memory_space<semaphore_mem>>)
      %dma_wait3A_50 = arith.constant 0 : i32
      %dma_wait3A_51 = arith.constant 0 : i32
      %dma_wait3A_52 = tpu.memref_slice %arg3[%add3A, %dma_wait3A_50, %dma_wait3A_51] : memref<32x100x64xi32, #tpu.memory_space<hbm>> -> memref<1x100x64xi32, #tpu.memory_space<hbm>>
      %dma_wait3A_53 = tpu.memref_squeeze %dma_wait3A_52 : memref<1x100x64xi32, #tpu.memory_space<hbm>> -> memref<100x64xi32, #tpu.memory_space<hbm>>
      %dma_wait3A_54 = arith.constant 0 : i32
      %dma_wait3A_55 = arith.constant 0 : i32
      %dma_wait3A_56 = tpu.memref_slice %arg3[%add3A, %dma_wait3A_54, %dma_wait3A_55] : memref<32x100x64xi32, #tpu.memory_space<hbm>> -> memref<1x100x64xi32, #tpu.memory_space<hbm>>
      %dma_wait3A_57 = tpu.memref_squeeze %dma_wait3A_56 : memref<1x100x64xi32, #tpu.memory_space<hbm>> -> memref<100x64xi32, #tpu.memory_space<hbm>>
      tpu.wait_dma2 semaphore(%run_scoped3A : memref<!tpu.dma_semaphore, #tpu.memory_space<semaphore_mem>>) src(%dma_wait3A_57 : memref<100x64xi32, #tpu.memory_space<hbm>>) dst(%arg5 : memref<100x64xi32, #tpu.memory_space<vmem>>)
      tpu.yield
    }) : () -> ()
    %dma_start3A = arith.constant 0 : i32
    %dma_start3A_3 = arith.constant 0 : i32
    %dma_start3A_4 = arith.constant 0 : i32
    %dma_start3A_5 = arith.constant 0 : i32
    %dma_start3A_6 = tpu.memref_slice %arg6[%dma_start3A_3, %dma_start3A_4, %dma_start3A_5] : memref<2x64x512xf32, #tpu.memory_space<vmem>> -> memref<1x64x512xf32, #tpu.memory_space<vmem>>
    %dma_start3A_7 = tpu.memref_squeeze %dma_start3A_6 : memref<1x64x512xf32, #tpu.memory_space<vmem>> -> memref<64x512xf32, #tpu.memory_space<vmem>>
    %dma_start3A_8 = arith.constant 0 : i32
    %dma_start3A_9 = tpu.memref_slice %arg5[%dma_start3A, %dma_start3A_8] : memref<100x64xi32, #tpu.memory_space<vmem>> -> memref<1x64xi32, #tpu.memory_space<vmem>>
    %dma_start3A_10 = tpu.memref_squeeze %dma_start3A_9 : memref<1x64xi32, #tpu.memory_space<vmem>> -> memref<64xi32, #tpu.memory_space<vmem>>
    %dma_start3A_11 = arith.constant 0 : i32
    %dma_start3A_12 = arith.constant 0 : i32
    %dma_start3A_13 = tpu.memref_slice %arg2[%dma_start3A_11, %dma_start3A_12] : memref<1000x512xf32, #tpu.memory_space<hbm>> -> memref<1000x512xf32, #tpu.memory_space<hbm>>
    tpu.enqueue_indirect_dma source(%dma_start3A_13 : memref<1000x512xf32, #tpu.memory_space<hbm>>) target(%dma_start3A_7 : memref<64x512xf32, #tpu.memory_space<vmem>>) offsets(%dma_start3A_10 : memref<64xi32, #tpu.memory_space<vmem>>) semaphore(%arg8 : memref<!tpu.dma_semaphore, #tpu.memory_space<semaphore_mem>>)
    %scan3A = arith.constant 0 : i32
    %scan3A_14 = arith.constant 0 : i32
    %scan3A_15 = arith.constant 50 : i32
    %scan3A_16 = arith.addi %scan3A_14, %scan3A_15 : i32
    %scan3A_17 = arith.constant 1 : i32
    scf.for %scan3A_42 = %scan3A_14 to %scan3A_16 step %scan3A_17  : i32 {
      %mul3A_43 = arith.constant 2 : i32
      %mul3A_44 = arith.muli %scan3A_42, %mul3A_43 : i32
      %add3A_45 = arith.constant 0 : i32
      %add3A_46 = arith.addi %mul3A_44, %add3A_45 : i32
      %add3A_47 = arith.constant 1 : i32
      %add3A_48 = arith.addi %add3A_46, %add3A_47 : i32
      %lt3A = arith.constant 100 : i32
      %lt3A_49 = arith.cmpi slt, %add3A_48, %lt3A : i32
      %convert_element_type3A = arith.extui %lt3A_49 : i1 to i32
      %cond3A = arith.constant 0 : i32
      %cond3A_50 = arith.cmpi ne, %convert_element_type3A, %cond3A : i32
      scf.if %cond3A_50 {
        %dma_start3A_178 = arith.constant 1 : i32
        %dma_start3A_179 = arith.constant 0 : i32
        %dma_start3A_180 = arith.constant 0 : i32
        %dma_start3A_181 = tpu.memref_slice %arg6[%dma_start3A_178, %dma_start3A_179, %dma_start3A_180] : memref<2x64x512xf32, #tpu.memory_space<vmem>> -> memref<1x64x512xf32, #tpu.memory_space<vmem>>
        %dma_start3A_182 = tpu.memref_squeeze %dma_start3A_181 : memref<1x64x512xf32, #tpu.memory_space<vmem>> -> memref<64x512xf32, #tpu.memory_space<vmem>>
        %dma_start3A_183 = arith.constant 0 : i32
        %dma_start3A_184 = tpu.memref_slice %arg5[%add3A_48, %dma_start3A_183] : memref<100x64xi32, #tpu.memory_space<vmem>> -> memref<1x64xi32, #tpu.memory_space<vmem>>
        %dma_start3A_185 = tpu.memref_squeeze %dma_start3A_184 : memref<1x64xi32, #tpu.memory_space<vmem>> -> memref<64xi32, #tpu.memory_space<vmem>>
        %dma_start3A_186 = arith.constant 0 : i32
        %dma_start3A_187 = arith.constant 0 : i32
        %dma_start3A_188 = tpu.memref_slice %arg2[%dma_start3A_186, %dma_start3A_187] : memref<1000x512xf32, #tpu.memory_space<hbm>> -> memref<1000x512xf32, #tpu.memory_space<hbm>>
        tpu.enqueue_indirect_dma source(%dma_start3A_188 : memref<1000x512xf32, #tpu.memory_space<hbm>>) target(%dma_start3A_182 : memref<64x512xf32, #tpu.memory_space<vmem>>) offsets(%dma_start3A_185 : memref<64xi32, #tpu.memory_space<vmem>>) semaphore(%arg9 : memref<!tpu.dma_semaphore, #tpu.memory_space<semaphore_mem>>)
      } else {
      }
      %dma_wait3A_51 = arith.constant 0 : i32
      %dma_wait3A_52 = arith.constant 0 : i32
      %dma_wait3A_53 = arith.constant 0 : i32
      %dma_wait3A_54 = tpu.memref_slice %arg6[%dma_wait3A_51, %dma_wait3A_52, %dma_wait3A_53] : memref<2x64x512xf32, #tpu.memory_space<vmem>> -> memref<1x64x512xf32, #tpu.memory_space<vmem>>
      %dma_wait3A_55 = tpu.memref_squeeze %dma_wait3A_54 : memref<1x64x512xf32, #tpu.memory_space<vmem>> -> memref<64x512xf32, #tpu.memory_space<vmem>>
      %dma_wait3A_56 = arith.constant 0 : i32
      %dma_wait3A_57 = tpu.memref_slice %arg5[%add3A_46, %dma_wait3A_56] : memref<100x64xi32, #tpu.memory_space<vmem>> -> memref<1x64xi32, #tpu.memory_space<vmem>>
      %dma_wait3A_58 = tpu.memref_squeeze %dma_wait3A_57 : memref<1x64xi32, #tpu.memory_space<vmem>> -> memref<64xi32, #tpu.memory_space<vmem>>
      %dma_wait3A_59 = arith.constant 0 : i32
      %dma_wait3A_60 = arith.constant 0 : i32
      %dma_wait3A_61 = tpu.memref_slice %arg2[%dma_wait3A_59, %dma_wait3A_60] : memref<1000x512xf32, #tpu.memory_space<hbm>> -> memref<1000x512xf32, #tpu.memory_space<hbm>>
      tpu.wait_indirect_dma semaphore(%arg8 : memref<!tpu.dma_semaphore, #tpu.memory_space<semaphore_mem>>) src(%dma_wait3A_61 : memref<1000x512xf32, #tpu.memory_space<hbm>>) dst(%dma_wait3A_55 : memref<64x512xf32, #tpu.memory_space<vmem>>)
      %ge3A = arith.constant 1 : i32
      %ge3A_62 = arith.cmpi sge, %add3A_46, %ge3A : i32
      %convert_element_type3A_63 = arith.extui %ge3A_62 : i1 to i32
      %cond3A_64 = arith.constant 0 : i32
      %cond3A_65 = arith.cmpi ne, %convert_element_type3A_63, %cond3A_64 : i32
      scf.if %cond3A_65 {
        %dma_wait3A_178 = arith.constant 0 : i32
        %dma_wait3A_179 = arith.constant 0 : i32
        %dma_wait3A_180 = tpu.memref_slice %arg4[%mul3A_2, %dma_wait3A_179] : memref<204800x512xf32, #tpu.memory_space<hbm>> -> memref<32x512xf32, #tpu.memory_space<hbm>>
        %dma_wait3A_181 = arith.constant 0 : i32
        %dma_wait3A_182 = arith.constant 0 : i32
        %dma_wait3A_183 = arith.constant 0 : i32
        %dma_wait3A_184 = tpu.memref_slice %arg7[%arg1, %dma_wait3A_181, %dma_wait3A_182, %dma_wait3A_183] : memref<16x2x32x512xf32, #tpu.memory_space<vmem_shared>> -> memref<1x2x32x512xf32, #tpu.memory_space<vmem_shared>>
        %dma_wait3A_185 = tpu.memref_squeeze %dma_wait3A_184 : memref<1x2x32x512xf32, #tpu.memory_space<vmem_shared>> -> memref<2x32x512xf32, #tpu.memory_space<vmem_shared>>
        %dma_wait3A_186 = arith.constant 0 : i32
        %dma_wait3A_187 = arith.constant 0 : i32
        %dma_wait3A_188 = tpu.memref_slice %dma_wait3A_185[%dma_wait3A_178, %dma_wait3A_186, %dma_wait3A_187] : memref<2x32x512xf32, #tpu.memory_space<vmem_shared>> -> memref<1x32x512xf32, #tpu.memory_space<vmem_shared>>
        %dma_wait3A_189 = tpu.memref_squeeze %dma_wait3A_188 : memref<1x32x512xf32, #tpu.memory_space<vmem_shared>> -> memref<32x512xf32, #tpu.memory_space<vmem_shared>>
        tpu.wait_dma2 semaphore(%arg10 : memref<!tpu.dma_semaphore, #tpu.memory_space<semaphore_mem>>) src(%dma_wait3A_189 : memref<32x512xf32, #tpu.memory_space<vmem_shared>>) dst(%dma_wait3A_180 : memref<32x512xf32, #tpu.memory_space<hbm>>)
      } else {
      }
      %run_scoped3A = arith.constant 0 : i32
      %run_scoped3A_66 = arith.constant 0 : i32
      "tpu.region"() ({
        %run_scoped3A_178 = tpu.sem_alloc : memref<!tpu.dma_semaphore, #tpu.memory_space<semaphore_mem>>
        %dma_start3A_179 = arith.constant 0 : i32
        %dma_start3A_180 = arith.constant 0 : i32
        %dma_start3A_181 = tpu.memref_slice %arg6[%run_scoped3A, %dma_start3A_179, %dma_start3A_180] : memref<2x64x512xf32, #tpu.memory_space<vmem>> -> memref<1x64x512xf32, #tpu.memory_space<vmem>>
        %dma_start3A_182 = tpu.memref_squeeze %dma_start3A_181 : memref<1x64x512xf32, #tpu.memory_space<vmem>> -> memref<64x512xf32, #tpu.memory_space<vmem>>
        %dma_start3A_183 = arith.constant 0 : i32
        %dma_start3A_184 = arith.constant 0 : i32
        %dma_start3A_185 = tpu.memref_slice %dma_start3A_182[%dma_start3A_183, %dma_start3A_184] : memref<64x512xf32, #tpu.memory_space<vmem>> -> memref<32x512xf32, #tpu.memory_space<vmem>>
        %dma_start3A_186 = arith.constant 0 : i32
        %dma_start3A_187 = arith.constant 0 : i32
        %dma_start3A_188 = arith.constant 0 : i32
        %dma_start3A_189 = tpu.memref_slice %arg7[%arg1, %dma_start3A_186, %dma_start3A_187, %dma_start3A_188] : memref<16x2x32x512xf32, #tpu.memory_space<vmem_shared>> -> memref<1x2x32x512xf32, #tpu.memory_space<vmem_shared>>
        %dma_start3A_190 = tpu.memref_squeeze %dma_start3A_189 : memref<1x2x32x512xf32, #tpu.memory_space<vmem_shared>> -> memref<2x32x512xf32, #tpu.memory_space<vmem_shared>>
        %dma_start3A_191 = arith.constant 0 : i32
        %dma_start3A_192 = arith.constant 0 : i32
        %dma_start3A_193 = tpu.memref_slice %dma_start3A_190[%run_scoped3A_66, %dma_start3A_191, %dma_start3A_192] : memref<2x32x512xf32, #tpu.memory_space<vmem_shared>> -> memref<1x32x512xf32, #tpu.memory_space<vmem_shared>>
        %dma_start3A_194 = tpu.memref_squeeze %dma_start3A_193 : memref<1x32x512xf32, #tpu.memory_space<vmem_shared>> -> memref<32x512xf32, #tpu.memory_space<vmem_shared>>
        %dma_start3A_195 = arith.constant 0 : i32
        %dma_start3A_196 = arith.constant 0 : i32
        %dma_start3A_197 = arith.constant 0 : i32
        %dma_start3A_198 = tpu.memref_slice %arg7[%arg1, %dma_start3A_195, %dma_start3A_196, %dma_start3A_197] : memref<16x2x32x512xf32, #tpu.memory_space<vmem_shared>> -> memref<1x2x32x512xf32, #tpu.memory_space<vmem_shared>>
        %dma_start3A_199 = tpu.memref_squeeze %dma_start3A_198 : memref<1x2x32x512xf32, #tpu.memory_space<vmem_shared>> -> memref<2x32x512xf32, #tpu.memory_space<vmem_shared>>
        %dma_start3A_200 = arith.constant 0 : i32
        %dma_start3A_201 = arith.constant 0 : i32
        %dma_start3A_202 = tpu.memref_slice %dma_start3A_199[%run_scoped3A_66, %dma_start3A_200, %dma_start3A_201] : memref<2x32x512xf32, #tpu.memory_space<vmem_shared>> -> memref<1x32x512xf32, #tpu.memory_space<vmem_shared>>
        %dma_start3A_203 = tpu.memref_squeeze %dma_start3A_202 : memref<1x32x512xf32, #tpu.memory_space<vmem_shared>> -> memref<32x512xf32, #tpu.memory_space<vmem_shared>>
        %dma_start3A_204 = arith.constant 0 : i32
        %dma_start3A_205 = arith.constant 0 : i32
        %dma_start3A_206 = tpu.memref_slice %arg6[%run_scoped3A, %dma_start3A_204, %dma_start3A_205] : memref<2x64x512xf32, #tpu.memory_space<vmem>> -> memref<1x64x512xf32, #tpu.memory_space<vmem>>
        %dma_start3A_207 = tpu.memref_squeeze %dma_start3A_206 : memref<1x64x512xf32, #tpu.memory_space<vmem>> -> memref<64x512xf32, #tpu.memory_space<vmem>>
        %dma_start3A_208 = arith.constant 0 : i32
        %dma_start3A_209 = arith.constant 0 : i32
        %dma_start3A_210 = tpu.memref_slice %dma_start3A_207[%dma_start3A_208, %dma_start3A_209] : memref<64x512xf32, #tpu.memory_space<vmem>> -> memref<32x512xf32, #tpu.memory_space<vmem>>
        tpu.enqueue_dma source(%dma_start3A_210 : memref<32x512xf32, #tpu.memory_space<vmem>>) target(%dma_start3A_203 : memref<32x512xf32, #tpu.memory_space<vmem_shared>>) target_semaphore(%run_scoped3A_178 : memref<!tpu.dma_semaphore, #tpu.memory_space<semaphore_mem>>)
        %dma_wait3A_211 = arith.constant 0 : i32
        %dma_wait3A_212 = arith.constant 0 : i32
        %dma_wait3A_213 = tpu.memref_slice %arg6[%run_scoped3A, %dma_wait3A_211, %dma_wait3A_212] : memref<2x64x512xf32, #tpu.memory_space<vmem>> -> memref<1x64x512xf32, #tpu.memory_space<vmem>>
        %dma_wait3A_214 = tpu.memref_squeeze %dma_wait3A_213 : memref<1x64x512xf32, #tpu.memory_space<vmem>> -> memref<64x512xf32, #tpu.memory_space<vmem>>
        %dma_wait3A_215 = arith.constant 0 : i32
        %dma_wait3A_216 = arith.constant 0 : i32
        %dma_wait3A_217 = tpu.memref_slice %dma_wait3A_214[%dma_wait3A_215, %dma_wait3A_216] : memref<64x512xf32, #tpu.memory_space<vmem>> -> memref<32x512xf32, #tpu.memory_space<vmem>>
        %dma_wait3A_218 = arith.constant 0 : i32
        %dma_wait3A_219 = arith.constant 0 : i32
        %dma_wait3A_220 = arith.constant 0 : i32
        %dma_wait3A_221 = tpu.memref_slice %arg7[%arg1, %dma_wait3A_218, %dma_wait3A_219, %dma_wait3A_220] : memref<16x2x32x512xf32, #tpu.memory_space<vmem_shared>> -> memref<1x2x32x512xf32, #tpu.memory_space<vmem_shared>>
        %dma_wait3A_222 = tpu.memref_squeeze %dma_wait3A_221 : memref<1x2x32x512xf32, #tpu.memory_space<vmem_shared>> -> memref<2x32x512xf32, #tpu.memory_space<vmem_shared>>
        %dma_wait3A_223 = arith.constant 0 : i32
        %dma_wait3A_224 = arith.constant 0 : i32
        %dma_wait3A_225 = tpu.memref_slice %dma_wait3A_222[%run_scoped3A_66, %dma_wait3A_223, %dma_wait3A_224] : memref<2x32x512xf32, #tpu.memory_space<vmem_shared>> -> memref<1x32x512xf32, #tpu.memory_space<vmem_shared>>
        %dma_wait3A_226 = tpu.memref_squeeze %dma_wait3A_225 : memref<1x32x512xf32, #tpu.memory_space<vmem_shared>> -> memref<32x512xf32, #tpu.memory_space<vmem_shared>>
        %dma_wait3A_227 = arith.constant 0 : i32
        %dma_wait3A_228 = arith.constant 0 : i32
        %dma_wait3A_229 = arith.constant 0 : i32
        %dma_wait3A_230 = tpu.memref_slice %arg7[%arg1, %dma_wait3A_227, %dma_wait3A_228, %dma_wait3A_229] : memref<16x2x32x512xf32, #tpu.memory_space<vmem_shared>> -> memref<1x2x32x512xf32, #tpu.memory_space<vmem_shared>>
        %dma_wait3A_231 = tpu.memref_squeeze %dma_wait3A_230 : memref<1x2x32x512xf32, #tpu.memory_space<vmem_shared>> -> memref<2x32x512xf32, #tpu.memory_space<vmem_shared>>
        %dma_wait3A_232 = arith.constant 0 : i32
        %dma_wait3A_233 = arith.constant 0 : i32
        %dma_wait3A_234 = tpu.memref_slice %dma_wait3A_231[%run_scoped3A_66, %dma_wait3A_232, %dma_wait3A_233] : memref<2x32x512xf32, #tpu.memory_space<vmem_shared>> -> memref<1x32x512xf32, #tpu.memory_space<vmem_shared>>
        %dma_wait3A_235 = tpu.memref_squeeze %dma_wait3A_234 : memref<1x32x512xf32, #tpu.memory_space<vmem_shared>> -> memref<32x512xf32, #tpu.memory_space<vmem_shared>>
        %dma_wait3A_236 = arith.constant 0 : i32
        %dma_wait3A_237 = arith.constant 0 : i32
        %dma_wait3A_238 = tpu.memref_slice %arg6[%run_scoped3A, %dma_wait3A_236, %dma_wait3A_237] : memref<2x64x512xf32, #tpu.memory_space<vmem>> -> memref<1x64x512xf32, #tpu.memory_space<vmem>>
        %dma_wait3A_239 = tpu.memref_squeeze %dma_wait3A_238 : memref<1x64x512xf32, #tpu.memory_space<vmem>> -> memref<64x512xf32, #tpu.memory_space<vmem>>
        %dma_wait3A_240 = arith.constant 0 : i32
        %dma_wait3A_241 = arith.constant 0 : i32
        %dma_wait3A_242 = tpu.memref_slice %dma_wait3A_239[%dma_wait3A_240, %dma_wait3A_241] : memref<64x512xf32, #tpu.memory_space<vmem>> -> memref<32x512xf32, #tpu.memory_space<vmem>>
        tpu.wait_dma2 semaphore(%run_scoped3A_178 : memref<!tpu.dma_semaphore, #tpu.memory_space<semaphore_mem>>) src(%dma_wait3A_242 : memref<32x512xf32, #tpu.memory_space<vmem>>) dst(%dma_wait3A_235 : memref<32x512xf32, #tpu.memory_space<vmem_shared>>)
        tpu.yield
      }) : () -> ()
      %mul3A_67 = arith.constant 64 : i32
      %mul3A_68 = arith.muli %add3A_46, %mul3A_67 : i32
      %add3A_69 = arith.addi %mul3A_2, %mul3A_68 : i32
      %add3A_70 = arith.constant 0 : i32
      %add3A_71 = arith.addi %add3A_69, %add3A_70 : i32
      %dma_start3A_72 = arith.constant 0 : i32
      %dma_start3A_73 = arith.constant 0 : i32
      %dma_start3A_74 = tpu.memref_slice %arg4[%add3A_71, %dma_start3A_73] : memref<204800x512xf32, #tpu.memory_space<hbm>> -> memref<32x512xf32, #tpu.memory_space<hbm>>
      %dma_start3A_75 = arith.constant 0 : i32
      %dma_start3A_76 = arith.constant 0 : i32
      %dma_start3A_77 = arith.constant 0 : i32
      %dma_start3A_78 = tpu.memref_slice %arg7[%arg1, %dma_start3A_75, %dma_start3A_76, %dma_start3A_77] : memref<16x2x32x512xf32, #tpu.memory_space<vmem_shared>> -> memref<1x2x32x512xf32, #tpu.memory_space<vmem_shared>>
      %dma_start3A_79 = tpu.memref_squeeze %dma_start3A_78 : memref<1x2x32x512xf32, #tpu.memory_space<vmem_shared>> -> memref<2x32x512xf32, #tpu.memory_space<vmem_shared>>
      %dma_start3A_80 = arith.constant 0 : i32
      %dma_start3A_81 = arith.constant 0 : i32
      %dma_start3A_82 = tpu.memref_slice %dma_start3A_79[%dma_start3A_72, %dma_start3A_80, %dma_start3A_81] : memref<2x32x512xf32, #tpu.memory_space<vmem_shared>> -> memref<1x32x512xf32, #tpu.memory_space<vmem_shared>>
      %dma_start3A_83 = tpu.memref_squeeze %dma_start3A_82 : memref<1x32x512xf32, #tpu.memory_space<vmem_shared>> -> memref<32x512xf32, #tpu.memory_space<vmem_shared>>
      tpu.enqueue_dma source(%dma_start3A_83 : memref<32x512xf32, #tpu.memory_space<vmem_shared>>) target(%dma_start3A_74 : memref<32x512xf32, #tpu.memory_space<hbm>>) target_semaphore(%arg10 : memref<!tpu.dma_semaphore, #tpu.memory_space<semaphore_mem>>)
      %ge3A_84 = arith.constant 1 : i32
      %ge3A_85 = arith.cmpi sge, %add3A_46, %ge3A_84 : i32
      %convert_element_type3A_86 = arith.extui %ge3A_85 : i1 to i32
      %cond3A_87 = arith.constant 0 : i32
      %cond3A_88 = arith.cmpi ne, %convert_element_type3A_86, %cond3A_87 : i32
      scf.if %cond3A_88 {
        %dma_wait3A_178 = arith.constant 1 : i32
        %dma_wait3A_179 = arith.constant 0 : i32
        %dma_wait3A_180 = tpu.memref_slice %arg4[%mul3A_2, %dma_wait3A_179] : memref<204800x512xf32, #tpu.memory_space<hbm>> -> memref<32x512xf32, #tpu.memory_space<hbm>>
        %dma_wait3A_181 = arith.constant 0 : i32
        %dma_wait3A_182 = arith.constant 0 : i32
        %dma_wait3A_183 = arith.constant 0 : i32
        %dma_wait3A_184 = tpu.memref_slice %arg7[%arg1, %dma_wait3A_181, %dma_wait3A_182, %dma_wait3A_183] : memref<16x2x32x512xf32, #tpu.memory_space<vmem_shared>> -> memref<1x2x32x512xf32, #tpu.memory_space<vmem_shared>>
        %dma_wait3A_185 = tpu.memref_squeeze %dma_wait3A_184 : memref<1x2x32x512xf32, #tpu.memory_space<vmem_shared>> -> memref<2x32x512xf32, #tpu.memory_space<vmem_shared>>
        %dma_wait3A_186 = arith.constant 0 : i32
        %dma_wait3A_187 = arith.constant 0 : i32
        %dma_wait3A_188 = tpu.memref_slice %dma_wait3A_185[%dma_wait3A_178, %dma_wait3A_186, %dma_wait3A_187] : memref<2x32x512xf32, #tpu.memory_space<vmem_shared>> -> memref<1x32x512xf32, #tpu.memory_space<vmem_shared>>
        %dma_wait3A_189 = tpu.memref_squeeze %dma_wait3A_188 : memref<1x32x512xf32, #tpu.memory_space<vmem_shared>> -> memref<32x512xf32, #tpu.memory_space<vmem_shared>>
        tpu.wait_dma2 semaphore(%arg11 : memref<!tpu.dma_semaphore, #tpu.memory_space<semaphore_mem>>) src(%dma_wait3A_189 : memref<32x512xf32, #tpu.memory_space<vmem_shared>>) dst(%dma_wait3A_180 : memref<32x512xf32, #tpu.memory_space<hbm>>)
      } else {
      }
      %run_scoped3A_89 = arith.constant 0 : i32
      %run_scoped3A_90 = arith.constant 1 : i32
      "tpu.region"() ({
        %run_scoped3A_178 = tpu.sem_alloc : memref<!tpu.dma_semaphore, #tpu.memory_space<semaphore_mem>>
        %dma_start3A_179 = arith.constant 0 : i32
        %dma_start3A_180 = arith.constant 0 : i32
        %dma_start3A_181 = tpu.memref_slice %arg6[%run_scoped3A_89, %dma_start3A_179, %dma_start3A_180] : memref<2x64x512xf32, #tpu.memory_space<vmem>> -> memref<1x64x512xf32, #tpu.memory_space<vmem>>
        %dma_start3A_182 = tpu.memref_squeeze %dma_start3A_181 : memref<1x64x512xf32, #tpu.memory_space<vmem>> -> memref<64x512xf32, #tpu.memory_space<vmem>>
        %dma_start3A_183 = arith.constant 32 : i32
        %dma_start3A_184 = arith.constant 0 : i32
        %dma_start3A_185 = tpu.memref_slice %dma_start3A_182[%dma_start3A_183, %dma_start3A_184] : memref<64x512xf32, #tpu.memory_space<vmem>> -> memref<32x512xf32, #tpu.memory_space<vmem>>
        %dma_start3A_186 = arith.constant 0 : i32
        %dma_start3A_187 = arith.constant 0 : i32
        %dma_start3A_188 = arith.constant 0 : i32
        %dma_start3A_189 = tpu.memref_slice %arg7[%arg1, %dma_start3A_186, %dma_start3A_187, %dma_start3A_188] : memref<16x2x32x512xf32, #tpu.memory_space<vmem_shared>> -> memref<1x2x32x512xf32, #tpu.memory_space<vmem_shared>>
        %dma_start3A_190 = tpu.memref_squeeze %dma_start3A_189 : memref<1x2x32x512xf32, #tpu.memory_space<vmem_shared>> -> memref<2x32x512xf32, #tpu.memory_space<vmem_shared>>
        %dma_start3A_191 = arith.constant 0 : i32
        %dma_start3A_192 = arith.constant 0 : i32
        %dma_start3A_193 = tpu.memref_slice %dma_start3A_190[%run_scoped3A_90, %dma_start3A_191, %dma_start3A_192] : memref<2x32x512xf32, #tpu.memory_space<vmem_shared>> -> memref<1x32x512xf32, #tpu.memory_space<vmem_shared>>
        %dma_start3A_194 = tpu.memref_squeeze %dma_start3A_193 : memref<1x32x512xf32, #tpu.memory_space<vmem_shared>> -> memref<32x512xf32, #tpu.memory_space<vmem_shared>>
        %dma_start3A_195 = arith.constant 0 : i32
        %dma_start3A_196 = arith.constant 0 : i32
        %dma_start3A_197 = arith.constant 0 : i32
        %dma_start3A_198 = tpu.memref_slice %arg7[%arg1, %dma_start3A_195, %dma_start3A_196, %dma_start3A_197] : memref<16x2x32x512xf32, #tpu.memory_space<vmem_shared>> -> memref<1x2x32x512xf32, #tpu.memory_space<vmem_shared>>
        %dma_start3A_199 = tpu.memref_squeeze %dma_start3A_198 : memref<1x2x32x512xf32, #tpu.memory_space<vmem_shared>> -> memref<2x32x512xf32, #tpu.memory_space<vmem_shared>>
        %dma_start3A_200 = arith.constant 0 : i32
        %dma_start3A_201 = arith.constant 0 : i32
        %dma_start3A_202 = tpu.memref_slice %dma_start3A_199[%run_scoped3A_90, %dma_start3A_200, %dma_start3A_201] : memref<2x32x512xf32, #tpu.memory_space<vmem_shared>> -> memref<1x32x512xf32, #tpu.memory_space<vmem_shared>>
        %dma_start3A_203 = tpu.memref_squeeze %dma_start3A_202 : memref<1x32x512xf32, #tpu.memory_space<vmem_shared>> -> memref<32x512xf32, #tpu.memory_space<vmem_shared>>
        %dma_start3A_204 = arith.constant 0 : i32
        %dma_start3A_205 = arith.constant 0 : i32
        %dma_start3A_206 = tpu.memref_slice %arg6[%run_scoped3A_89, %dma_start3A_204, %dma_start3A_205] : memref<2x64x512xf32, #tpu.memory_space<vmem>> -> memref<1x64x512xf32, #tpu.memory_space<vmem>>
        %dma_start3A_207 = tpu.memref_squeeze %dma_start3A_206 : memref<1x64x512xf32, #tpu.memory_space<vmem>> -> memref<64x512xf32, #tpu.memory_space<vmem>>
        %dma_start3A_208 = arith.constant 32 : i32
        %dma_start3A_209 = arith.constant 0 : i32
        %dma_start3A_210 = tpu.memref_slice %dma_start3A_207[%dma_start3A_208, %dma_start3A_209] : memref<64x512xf32, #tpu.memory_space<vmem>> -> memref<32x512xf32, #tpu.memory_space<vmem>>
        tpu.enqueue_dma source(%dma_start3A_210 : memref<32x512xf32, #tpu.memory_space<vmem>>) target(%dma_start3A_203 : memref<32x512xf32, #tpu.memory_space<vmem_shared>>) target_semaphore(%run_scoped3A_178 : memref<!tpu.dma_semaphore, #tpu.memory_space<semaphore_mem>>)
        %dma_wait3A_211 = arith.constant 0 : i32
        %dma_wait3A_212 = arith.constant 0 : i32
        %dma_wait3A_213 = tpu.memref_slice %arg6[%run_scoped3A_89, %dma_wait3A_211, %dma_wait3A_212] : memref<2x64x512xf32, #tpu.memory_space<vmem>> -> memref<1x64x512xf32, #tpu.memory_space<vmem>>
        %dma_wait3A_214 = tpu.memref_squeeze %dma_wait3A_213 : memref<1x64x512xf32, #tpu.memory_space<vmem>> -> memref<64x512xf32, #tpu.memory_space<vmem>>
        %dma_wait3A_215 = arith.constant 32 : i32
        %dma_wait3A_216 = arith.constant 0 : i32
        %dma_wait3A_217 = tpu.memref_slice %dma_wait3A_214[%dma_wait3A_215, %dma_wait3A_216] : memref<64x512xf32, #tpu.memory_space<vmem>> -> memref<32x512xf32, #tpu.memory_space<vmem>>
        %dma_wait3A_218 = arith.constant 0 : i32
        %dma_wait3A_219 = arith.constant 0 : i32
        %dma_wait3A_220 = arith.constant 0 : i32
        %dma_wait3A_221 = tpu.memref_slice %arg7[%arg1, %dma_wait3A_218, %dma_wait3A_219, %dma_wait3A_220] : memref<16x2x32x512xf32, #tpu.memory_space<vmem_shared>> -> memref<1x2x32x512xf32, #tpu.memory_space<vmem_shared>>
        %dma_wait3A_222 = tpu.memref_squeeze %dma_wait3A_221 : memref<1x2x32x512xf32, #tpu.memory_space<vmem_shared>> -> memref<2x32x512xf32, #tpu.memory_space<vmem_shared>>
        %dma_wait3A_223 = arith.constant 0 : i32
        %dma_wait3A_224 = arith.constant 0 : i32
        %dma_wait3A_225 = tpu.memref_slice %dma_wait3A_222[%run_scoped3A_90, %dma_wait3A_223, %dma_wait3A_224] : memref<2x32x512xf32, #tpu.memory_space<vmem_shared>> -> memref<1x32x512xf32, #tpu.memory_space<vmem_shared>>
        %dma_wait3A_226 = tpu.memref_squeeze %dma_wait3A_225 : memref<1x32x512xf32, #tpu.memory_space<vmem_shared>> -> memref<32x512xf32, #tpu.memory_space<vmem_shared>>
        %dma_wait3A_227 = arith.constant 0 : i32
        %dma_wait3A_228 = arith.constant 0 : i32
        %dma_wait3A_229 = arith.constant 0 : i32
        %dma_wait3A_230 = tpu.memref_slice %arg7[%arg1, %dma_wait3A_227, %dma_wait3A_228, %dma_wait3A_229] : memref<16x2x32x512xf32, #tpu.memory_space<vmem_shared>> -> memref<1x2x32x512xf32, #tpu.memory_space<vmem_shared>>
        %dma_wait3A_231 = tpu.memref_squeeze %dma_wait3A_230 : memref<1x2x32x512xf32, #tpu.memory_space<vmem_shared>> -> memref<2x32x512xf32, #tpu.memory_space<vmem_shared>>
        %dma_wait3A_232 = arith.constant 0 : i32
        %dma_wait3A_233 = arith.constant 0 : i32
        %dma_wait3A_234 = tpu.memref_slice %dma_wait3A_231[%run_scoped3A_90, %dma_wait3A_232, %dma_wait3A_233] : memref<2x32x512xf32, #tpu.memory_space<vmem_shared>> -> memref<1x32x512xf32, #tpu.memory_space<vmem_shared>>
        %dma_wait3A_235 = tpu.memref_squeeze %dma_wait3A_234 : memref<1x32x512xf32, #tpu.memory_space<vmem_shared>> -> memref<32x512xf32, #tpu.memory_space<vmem_shared>>
        %dma_wait3A_236 = arith.constant 0 : i32
        %dma_wait3A_237 = arith.constant 0 : i32
        %dma_wait3A_238 = tpu.memref_slice %arg6[%run_scoped3A_89, %dma_wait3A_236, %dma_wait3A_237] : memref<2x64x512xf32, #tpu.memory_space<vmem>> -> memref<1x64x512xf32, #tpu.memory_space<vmem>>
        %dma_wait3A_239 = tpu.memref_squeeze %dma_wait3A_238 : memref<1x64x512xf32, #tpu.memory_space<vmem>> -> memref<64x512xf32, #tpu.memory_space<vmem>>
        %dma_wait3A_240 = arith.constant 32 : i32
        %dma_wait3A_241 = arith.constant 0 : i32
        %dma_wait3A_242 = tpu.memref_slice %dma_wait3A_239[%dma_wait3A_240, %dma_wait3A_241] : memref<64x512xf32, #tpu.memory_space<vmem>> -> memref<32x512xf32, #tpu.memory_space<vmem>>
        tpu.wait_dma2 semaphore(%run_scoped3A_178 : memref<!tpu.dma_semaphore, #tpu.memory_space<semaphore_mem>>) src(%dma_wait3A_242 : memref<32x512xf32, #tpu.memory_space<vmem>>) dst(%dma_wait3A_235 : memref<32x512xf32, #tpu.memory_space<vmem_shared>>)
        tpu.yield
      }) : () -> ()
      %mul3A_91 = arith.constant 64 : i32
      %mul3A_92 = arith.muli %add3A_46, %mul3A_91 : i32
      %add3A_93 = arith.addi %mul3A_2, %mul3A_92 : i32
      %add3A_94 = arith.constant 32 : i32
      %add3A_95 = arith.addi %add3A_93, %add3A_94 : i32
      %dma_start3A_96 = arith.constant 1 : i32
      %dma_start3A_97 = arith.constant 0 : i32
      %dma_start3A_98 = tpu.memref_slice %arg4[%add3A_95, %dma_start3A_97] : memref<204800x512xf32, #tpu.memory_space<hbm>> -> memref<32x512xf32, #tpu.memory_space<hbm>>
      %dma_start3A_99 = arith.constant 0 : i32
      %dma_start3A_100 = arith.constant 0 : i32
      %dma_start3A_101 = arith.constant 0 : i32
      %dma_start3A_102 = tpu.memref_slice %arg7[%arg1, %dma_start3A_99, %dma_start3A_100, %dma_start3A_101] : memref<16x2x32x512xf32, #tpu.memory_space<vmem_shared>> -> memref<1x2x32x512xf32, #tpu.memory_space<vmem_shared>>
      %dma_start3A_103 = tpu.memref_squeeze %dma_start3A_102 : memref<1x2x32x512xf32, #tpu.memory_space<vmem_shared>> -> memref<2x32x512xf32, #tpu.memory_space<vmem_shared>>
      %dma_start3A_104 = arith.constant 0 : i32
      %dma_start3A_105 = arith.constant 0 : i32
      %dma_start3A_106 = tpu.memref_slice %dma_start3A_103[%dma_start3A_96, %dma_start3A_104, %dma_start3A_105] : memref<2x32x512xf32, #tpu.memory_space<vmem_shared>> -> memref<1x32x512xf32, #tpu.memory_space<vmem_shared>>
      %dma_start3A_107 = tpu.memref_squeeze %dma_start3A_106 : memref<1x32x512xf32, #tpu.memory_space<vmem_shared>> -> memref<32x512xf32, #tpu.memory_space<vmem_shared>>
      tpu.enqueue_dma source(%dma_start3A_107 : memref<32x512xf32, #tpu.memory_space<vmem_shared>>) target(%dma_start3A_98 : memref<32x512xf32, #tpu.memory_space<hbm>>) target_semaphore(%arg11 : memref<!tpu.dma_semaphore, #tpu.memory_space<semaphore_mem>>)
      %mul3A_108 = arith.constant 2 : i32
      %mul3A_109 = arith.muli %scan3A_42, %mul3A_108 : i32
      %add3A_110 = arith.constant 1 : i32
      %add3A_111 = arith.addi %mul3A_109, %add3A_110 : i32
      %add3A_112 = arith.constant 1 : i32
      %add3A_113 = arith.addi %add3A_111, %add3A_112 : i32
      %lt3A_114 = arith.constant 100 : i32
      %lt3A_115 = arith.cmpi slt, %add3A_113, %lt3A_114 : i32
      %convert_element_type3A_116 = arith.extui %lt3A_115 : i1 to i32
      %cond3A_117 = arith.constant 0 : i32
      %cond3A_118 = arith.cmpi ne, %convert_element_type3A_116, %cond3A_117 : i32
      scf.if %cond3A_118 {
        %dma_start3A_178 = arith.constant 0 : i32
        %dma_start3A_179 = arith.constant 0 : i32
        %dma_start3A_180 = arith.constant 0 : i32
        %dma_start3A_181 = tpu.memref_slice %arg6[%dma_start3A_178, %dma_start3A_179, %dma_start3A_180] : memref<2x64x512xf32, #tpu.memory_space<vmem>> -> memref<1x64x512xf32, #tpu.memory_space<vmem>>
        %dma_start3A_182 = tpu.memref_squeeze %dma_start3A_181 : memref<1x64x512xf32, #tpu.memory_space<vmem>> -> memref<64x512xf32, #tpu.memory_space<vmem>>
        %dma_start3A_183 = arith.constant 0 : i32
        %dma_start3A_184 = tpu.memref_slice %arg5[%add3A_113, %dma_start3A_183] : memref<100x64xi32, #tpu.memory_space<vmem>> -> memref<1x64xi32, #tpu.memory_space<vmem>>
        %dma_start3A_185 = tpu.memref_squeeze %dma_start3A_184 : memref<1x64xi32, #tpu.memory_space<vmem>> -> memref<64xi32, #tpu.memory_space<vmem>>
        %dma_start3A_186 = arith.constant 0 : i32
        %dma_start3A_187 = arith.constant 0 : i32
        %dma_start3A_188 = tpu.memref_slice %arg2[%dma_start3A_186, %dma_start3A_187] : memref<1000x512xf32, #tpu.memory_space<hbm>> -> memref<1000x512xf32, #tpu.memory_space<hbm>>
        tpu.enqueue_indirect_dma source(%dma_start3A_188 : memref<1000x512xf32, #tpu.memory_space<hbm>>) target(%dma_start3A_182 : memref<64x512xf32, #tpu.memory_space<vmem>>) offsets(%dma_start3A_185 : memref<64xi32, #tpu.memory_space<vmem>>) semaphore(%arg8 : memref<!tpu.dma_semaphore, #tpu.memory_space<semaphore_mem>>)
      } else {
      }
      %dma_wait3A_119 = arith.constant 1 : i32
      %dma_wait3A_120 = arith.constant 0 : i32
      %dma_wait3A_121 = arith.constant 0 : i32
      %dma_wait3A_122 = tpu.memref_slice %arg6[%dma_wait3A_119, %dma_wait3A_120, %dma_wait3A_121] : memref<2x64x512xf32, #tpu.memory_space<vmem>> -> memref<1x64x512xf32, #tpu.memory_space<vmem>>
      %dma_wait3A_123 = tpu.memref_squeeze %dma_wait3A_122 : memref<1x64x512xf32, #tpu.memory_space<vmem>> -> memref<64x512xf32, #tpu.memory_space<vmem>>
      %dma_wait3A_124 = arith.constant 0 : i32
      %dma_wait3A_125 = tpu.memref_slice %arg5[%add3A_111, %dma_wait3A_124] : memref<100x64xi32, #tpu.memory_space<vmem>> -> memref<1x64xi32, #tpu.memory_space<vmem>>
      %dma_wait3A_126 = tpu.memref_squeeze %dma_wait3A_125 : memref<1x64xi32, #tpu.memory_space<vmem>> -> memref<64xi32, #tpu.memory_space<vmem>>
      %dma_wait3A_127 = arith.constant 0 : i32
      %dma_wait3A_128 = arith.constant 0 : i32
      %dma_wait3A_129 = tpu.memref_slice %arg2[%dma_wait3A_127, %dma_wait3A_128] : memref<1000x512xf32, #tpu.memory_space<hbm>> -> memref<1000x512xf32, #tpu.memory_space<hbm>>
      tpu.wait_indirect_dma semaphore(%arg9 : memref<!tpu.dma_semaphore, #tpu.memory_space<semaphore_mem>>) src(%dma_wait3A_129 : memref<1000x512xf32, #tpu.memory_space<hbm>>) dst(%dma_wait3A_123 : memref<64x512xf32, #tpu.memory_space<vmem>>)
      %ge3A_130 = arith.constant 1 : i32
      %ge3A_131 = arith.cmpi sge, %add3A_111, %ge3A_130 : i32
      %convert_element_type3A_132 = arith.extui %ge3A_131 : i1 to i32
      %cond3A_133 = arith.constant 0 : i32
      %cond3A_134 = arith.cmpi ne, %convert_element_type3A_132, %cond3A_133 : i32
      scf.if %cond3A_134 {
        %dma_wait3A_178 = arith.constant 0 : i32
        %dma_wait3A_179 = arith.constant 0 : i32
        %dma_wait3A_180 = tpu.memref_slice %arg4[%mul3A_2, %dma_wait3A_179] : memref<204800x512xf32, #tpu.memory_space<hbm>> -> memref<32x512xf32, #tpu.memory_space<hbm>>
        %dma_wait3A_181 = arith.constant 0 : i32
        %dma_wait3A_182 = arith.constant 0 : i32
        %dma_wait3A_183 = arith.constant 0 : i32
        %dma_wait3A_184 = tpu.memref_slice %arg7[%arg1, %dma_wait3A_181, %dma_wait3A_182, %dma_wait3A_183] : memref<16x2x32x512xf32, #tpu.memory_space<vmem_shared>> -> memref<1x2x32x512xf32, #tpu.memory_space<vmem_shared>>
        %dma_wait3A_185 = tpu.memref_squeeze %dma_wait3A_184 : memref<1x2x32x512xf32, #tpu.memory_space<vmem_shared>> -> memref<2x32x512xf32, #tpu.memory_space<vmem_shared>>
        %dma_wait3A_186 = arith.constant 0 : i32
        %dma_wait3A_187 = arith.constant 0 : i32
        %dma_wait3A_188 = tpu.memref_slice %dma_wait3A_185[%dma_wait3A_178, %dma_wait3A_186, %dma_wait3A_187] : memref<2x32x512xf32, #tpu.memory_space<vmem_shared>> -> memref<1x32x512xf32, #tpu.memory_space<vmem_shared>>
        %dma_wait3A_189 = tpu.memref_squeeze %dma_wait3A_188 : memref<1x32x512xf32, #tpu.memory_space<vmem_shared>> -> memref<32x512xf32, #tpu.memory_space<vmem_shared>>
        tpu.wait_dma2 semaphore(%arg10 : memref<!tpu.dma_semaphore, #tpu.memory_space<semaphore_mem>>) src(%dma_wait3A_189 : memref<32x512xf32, #tpu.memory_space<vmem_shared>>) dst(%dma_wait3A_180 : memref<32x512xf32, #tpu.memory_space<hbm>>)
      } else {
      }
      %run_scoped3A_135 = arith.constant 1 : i32
      %run_scoped3A_136 = arith.constant 0 : i32
      "tpu.region"() ({
        %run_scoped3A_178 = tpu.sem_alloc : memref<!tpu.dma_semaphore, #tpu.memory_space<semaphore_mem>>
        %dma_start3A_179 = arith.constant 0 : i32
        %dma_start3A_180 = arith.constant 0 : i32
        %dma_start3A_181 = tpu.memref_slice %arg6[%run_scoped3A_135, %dma_start3A_179, %dma_start3A_180] : memref<2x64x512xf32, #tpu.memory_space<vmem>> -> memref<1x64x512xf32, #tpu.memory_space<vmem>>
        %dma_start3A_182 = tpu.memref_squeeze %dma_start3A_181 : memref<1x64x512xf32, #tpu.memory_space<vmem>> -> memref<64x512xf32, #tpu.memory_space<vmem>>
        %dma_start3A_183 = arith.constant 0 : i32
        %dma_start3A_184 = arith.constant 0 : i32
        %dma_start3A_185 = tpu.memref_slice %dma_start3A_182[%dma_start3A_183, %dma_start3A_184] : memref<64x512xf32, #tpu.memory_space<vmem>> -> memref<32x512xf32, #tpu.memory_space<vmem>>
        %dma_start3A_186 = arith.constant 0 : i32
        %dma_start3A_187 = arith.constant 0 : i32
        %dma_start3A_188 = arith.constant 0 : i32
        %dma_start3A_189 = tpu.memref_slice %arg7[%arg1, %dma_start3A_186, %dma_start3A_187, %dma_start3A_188] : memref<16x2x32x512xf32, #tpu.memory_space<vmem_shared>> -> memref<1x2x32x512xf32, #tpu.memory_space<vmem_shared>>
        %dma_start3A_190 = tpu.memref_squeeze %dma_start3A_189 : memref<1x2x32x512xf32, #tpu.memory_space<vmem_shared>> -> memref<2x32x512xf32, #tpu.memory_space<vmem_shared>>
        %dma_start3A_191 = arith.constant 0 : i32
        %dma_start3A_192 = arith.constant 0 : i32
        %dma_start3A_193 = tpu.memref_slice %dma_start3A_190[%run_scoped3A_136, %dma_start3A_191, %dma_start3A_192] : memref<2x32x512xf32, #tpu.memory_space<vmem_shared>> -> memref<1x32x512xf32, #tpu.memory_space<vmem_shared>>
        %dma_start3A_194 = tpu.memref_squeeze %dma_start3A_193 : memref<1x32x512xf32, #tpu.memory_space<vmem_shared>> -> memref<32x512xf32, #tpu.memory_space<vmem_shared>>
        %dma_start3A_195 = arith.constant 0 : i32
        %dma_start3A_196 = arith.constant 0 : i32
        %dma_start3A_197 = arith.constant 0 : i32
        %dma_start3A_198 = tpu.memref_slice %arg7[%arg1, %dma_start3A_195, %dma_start3A_196, %dma_start3A_197] : memref<16x2x32x512xf32, #tpu.memory_space<vmem_shared>> -> memref<1x2x32x512xf32, #tpu.memory_space<vmem_shared>>
        %dma_start3A_199 = tpu.memref_squeeze %dma_start3A_198 : memref<1x2x32x512xf32, #tpu.memory_space<vmem_shared>> -> memref<2x32x512xf32, #tpu.memory_space<vmem_shared>>
        %dma_start3A_200 = arith.constant 0 : i32
        %dma_start3A_201 = arith.constant 0 : i32
        %dma_start3A_202 = tpu.memref_slice %dma_start3A_199[%run_scoped3A_136, %dma_start3A_200, %dma_start3A_201] : memref<2x32x512xf32, #tpu.memory_space<vmem_shared>> -> memref<1x32x512xf32, #tpu.memory_space<vmem_shared>>
        %dma_start3A_203 = tpu.memref_squeeze %dma_start3A_202 : memref<1x32x512xf32, #tpu.memory_space<vmem_shared>> -> memref<32x512xf32, #tpu.memory_space<vmem_shared>>
        %dma_start3A_204 = arith.constant 0 : i32
        %dma_start3A_205 = arith.constant 0 : i32
        %dma_start3A_206 = tpu.memref_slice %arg6[%run_scoped3A_135, %dma_start3A_204, %dma_start3A_205] : memref<2x64x512xf32, #tpu.memory_space<vmem>> -> memref<1x64x512xf32, #tpu.memory_space<vmem>>
        %dma_start3A_207 = tpu.memref_squeeze %dma_start3A_206 : memref<1x64x512xf32, #tpu.memory_space<vmem>> -> memref<64x512xf32, #tpu.memory_space<vmem>>
        %dma_start3A_208 = arith.constant 0 : i32
        %dma_start3A_209 = arith.constant 0 : i32
        %dma_start3A_210 = tpu.memref_slice %dma_start3A_207[%dma_start3A_208, %dma_start3A_209] : memref<64x512xf32, #tpu.memory_space<vmem>> -> memref<32x512xf32, #tpu.memory_space<vmem>>
        tpu.enqueue_dma source(%dma_start3A_210 : memref<32x512xf32, #tpu.memory_space<vmem>>) target(%dma_start3A_203 : memref<32x512xf32, #tpu.memory_space<vmem_shared>>) target_semaphore(%run_scoped3A_178 : memref<!tpu.dma_semaphore, #tpu.memory_space<semaphore_mem>>)
        %dma_wait3A_211 = arith.constant 0 : i32
        %dma_wait3A_212 = arith.constant 0 : i32
        %dma_wait3A_213 = tpu.memref_slice %arg6[%run_scoped3A_135, %dma_wait3A_211, %dma_wait3A_212] : memref<2x64x512xf32, #tpu.memory_space<vmem>> -> memref<1x64x512xf32, #tpu.memory_space<vmem>>
        %dma_wait3A_214 = tpu.memref_squeeze %dma_wait3A_213 : memref<1x64x512xf32, #tpu.memory_space<vmem>> -> memref<64x512xf32, #tpu.memory_space<vmem>>
        %dma_wait3A_215 = arith.constant 0 : i32
        %dma_wait3A_216 = arith.constant 0 : i32
        %dma_wait3A_217 = tpu.memref_slice %dma_wait3A_214[%dma_wait3A_215, %dma_wait3A_216] : memref<64x512xf32, #tpu.memory_space<vmem>> -> memref<32x512xf32, #tpu.memory_space<vmem>>
        %dma_wait3A_218 = arith.constant 0 : i32
        %dma_wait3A_219 = arith.constant 0 : i32
        %dma_wait3A_220 = arith.constant 0 : i32
        %dma_wait3A_221 = tpu.memref_slice %arg7[%arg1, %dma_wait3A_218, %dma_wait3A_219, %dma_wait3A_220] : memref<16x2x32x512xf32, #tpu.memory_space<vmem_shared>> -> memref<1x2x32x512xf32, #tpu.memory_space<vmem_shared>>
        %dma_wait3A_222 = tpu.memref_squeeze %dma_wait3A_221 : memref<1x2x32x512xf32, #tpu.memory_space<vmem_shared>> -> memref<2x32x512xf32, #tpu.memory_space<vmem_shared>>
        %dma_wait3A_223 = arith.constant 0 : i32
        %dma_wait3A_224 = arith.constant 0 : i32
        %dma_wait3A_225 = tpu.memref_slice %dma_wait3A_222[%run_scoped3A_136, %dma_wait3A_223, %dma_wait3A_224] : memref<2x32x512xf32, #tpu.memory_space<vmem_shared>> -> memref<1x32x512xf32, #tpu.memory_space<vmem_shared>>
        %dma_wait3A_226 = tpu.memref_squeeze %dma_wait3A_225 : memref<1x32x512xf32, #tpu.memory_space<vmem_shared>> -> memref<32x512xf32, #tpu.memory_space<vmem_shared>>
        %dma_wait3A_227 = arith.constant 0 : i32
        %dma_wait3A_228 = arith.constant 0 : i32
        %dma_wait3A_229 = arith.constant 0 : i32
        %dma_wait3A_230 = tpu.memref_slice %arg7[%arg1, %dma_wait3A_227, %dma_wait3A_228, %dma_wait3A_229] : memref<16x2x32x512xf32, #tpu.memory_space<vmem_shared>> -> memref<1x2x32x512xf32, #tpu.memory_space<vmem_shared>>
        %dma_wait3A_231 = tpu.memref_squeeze %dma_wait3A_230 : memref<1x2x32x512xf32, #tpu.memory_space<vmem_shared>> -> memref<2x32x512xf32, #tpu.memory_space<vmem_shared>>
        %dma_wait3A_232 = arith.constant 0 : i32
        %dma_wait3A_233 = arith.constant 0 : i32
        %dma_wait3A_234 = tpu.memref_slice %dma_wait3A_231[%run_scoped3A_136, %dma_wait3A_232, %dma_wait3A_233] : memref<2x32x512xf32, #tpu.memory_space<vmem_shared>> -> memref<1x32x512xf32, #tpu.memory_space<vmem_shared>>
        %dma_wait3A_235 = tpu.memref_squeeze %dma_wait3A_234 : memref<1x32x512xf32, #tpu.memory_space<vmem_shared>> -> memref<32x512xf32, #tpu.memory_space<vmem_shared>>
        %dma_wait3A_236 = arith.constant 0 : i32
        %dma_wait3A_237 = arith.constant 0 : i32
        %dma_wait3A_238 = tpu.memref_slice %arg6[%run_scoped3A_135, %dma_wait3A_236, %dma_wait3A_237] : memref<2x64x512xf32, #tpu.memory_space<vmem>> -> memref<1x64x512xf32, #tpu.memory_space<vmem>>
        %dma_wait3A_239 = tpu.memref_squeeze %dma_wait3A_238 : memref<1x64x512xf32, #tpu.memory_space<vmem>> -> memref<64x512xf32, #tpu.memory_space<vmem>>
        %dma_wait3A_240 = arith.constant 0 : i32
        %dma_wait3A_241 = arith.constant 0 : i32
        %dma_wait3A_242 = tpu.memref_slice %dma_wait3A_239[%dma_wait3A_240, %dma_wait3A_241] : memref<64x512xf32, #tpu.memory_space<vmem>> -> memref<32x512xf32, #tpu.memory_space<vmem>>
        tpu.wait_dma2 semaphore(%run_scoped3A_178 : memref<!tpu.dma_semaphore, #tpu.memory_space<semaphore_mem>>) src(%dma_wait3A_242 : memref<32x512xf32, #tpu.memory_space<vmem>>) dst(%dma_wait3A_235 : memref<32x512xf32, #tpu.memory_space<vmem_shared>>)
        tpu.yield
      }) : () -> ()
      %mul3A_137 = arith.constant 64 : i32
      %mul3A_138 = arith.muli %add3A_111, %mul3A_137 : i32
      %add3A_139 = arith.addi %mul3A_2, %mul3A_138 : i32
      %add3A_140 = arith.constant 0 : i32
      %add3A_141 = arith.addi %add3A_139, %add3A_140 : i32
      %dma_start3A_142 = arith.constant 0 : i32
      %dma_start3A_143 = arith.constant 0 : i32
      %dma_start3A_144 = tpu.memref_slice %arg4[%add3A_141, %dma_start3A_143] : memref<204800x512xf32, #tpu.memory_space<hbm>> -> memref<32x512xf32, #tpu.memory_space<hbm>>
      %dma_start3A_145 = arith.constant 0 : i32
      %dma_start3A_146 = arith.constant 0 : i32
      %dma_start3A_147 = arith.constant 0 : i32
      %dma_start3A_148 = tpu.memref_slice %arg7[%arg1, %dma_start3A_145, %dma_start3A_146, %dma_start3A_147] : memref<16x2x32x512xf32, #tpu.memory_space<vmem_shared>> -> memref<1x2x32x512xf32, #tpu.memory_space<vmem_shared>>
      %dma_start3A_149 = tpu.memref_squeeze %dma_start3A_148 : memref<1x2x32x512xf32, #tpu.memory_space<vmem_shared>> -> memref<2x32x512xf32, #tpu.memory_space<vmem_shared>>
      %dma_start3A_150 = arith.constant 0 : i32
      %dma_start3A_151 = arith.constant 0 : i32
      %dma_start3A_152 = tpu.memref_slice %dma_start3A_149[%dma_start3A_142, %dma_start3A_150, %dma_start3A_151] : memref<2x32x512xf32, #tpu.memory_space<vmem_shared>> -> memref<1x32x512xf32, #tpu.memory_space<vmem_shared>>
      %dma_start3A_153 = tpu.memref_squeeze %dma_start3A_152 : memref<1x32x512xf32, #tpu.memory_space<vmem_shared>> -> memref<32x512xf32, #tpu.memory_space<vmem_shared>>
      tpu.enqueue_dma source(%dma_start3A_153 : memref<32x512xf32, #tpu.memory_space<vmem_shared>>) target(%dma_start3A_144 : memref<32x512xf32, #tpu.memory_space<hbm>>) target_semaphore(%arg10 : memref<!tpu.dma_semaphore, #tpu.memory_space<semaphore_mem>>)
      %ge3A_154 = arith.constant 1 : i32
      %ge3A_155 = arith.cmpi sge, %add3A_111, %ge3A_154 : i32
      %convert_element_type3A_156 = arith.extui %ge3A_155 : i1 to i32
      %cond3A_157 = arith.constant 0 : i32
      %cond3A_158 = arith.cmpi ne, %convert_element_type3A_156, %cond3A_157 : i32
      scf.if %cond3A_158 {
        %dma_wait3A_178 = arith.constant 1 : i32
        %dma_wait3A_179 = arith.constant 0 : i32
        %dma_wait3A_180 = tpu.memref_slice %arg4[%mul3A_2, %dma_wait3A_179] : memref<204800x512xf32, #tpu.memory_space<hbm>> -> memref<32x512xf32, #tpu.memory_space<hbm>>
        %dma_wait3A_181 = arith.constant 0 : i32
        %dma_wait3A_182 = arith.constant 0 : i32
        %dma_wait3A_183 = arith.constant 0 : i32
        %dma_wait3A_184 = tpu.memref_slice %arg7[%arg1, %dma_wait3A_181, %dma_wait3A_182, %dma_wait3A_183] : memref<16x2x32x512xf32, #tpu.memory_space<vmem_shared>> -> memref<1x2x32x512xf32, #tpu.memory_space<vmem_shared>>
        %dma_wait3A_185 = tpu.memref_squeeze %dma_wait3A_184 : memref<1x2x32x512xf32, #tpu.memory_space<vmem_shared>> -> memref<2x32x512xf32, #tpu.memory_space<vmem_shared>>
        %dma_wait3A_186 = arith.constant 0 : i32
        %dma_wait3A_187 = arith.constant 0 : i32
        %dma_wait3A_188 = tpu.memref_slice %dma_wait3A_185[%dma_wait3A_178, %dma_wait3A_186, %dma_wait3A_187] : memref<2x32x512xf32, #tpu.memory_space<vmem_shared>> -> memref<1x32x512xf32, #tpu.memory_space<vmem_shared>>
        %dma_wait3A_189 = tpu.memref_squeeze %dma_wait3A_188 : memref<1x32x512xf32, #tpu.memory_space<vmem_shared>> -> memref<32x512xf32, #tpu.memory_space<vmem_shared>>
        tpu.wait_dma2 semaphore(%arg11 : memref<!tpu.dma_semaphore, #tpu.memory_space<semaphore_mem>>) src(%dma_wait3A_189 : memref<32x512xf32, #tpu.memory_space<vmem_shared>>) dst(%dma_wait3A_180 : memref<32x512xf32, #tpu.memory_space<hbm>>)
      } else {
      }
      %run_scoped3A_159 = arith.constant 1 : i32
      %run_scoped3A_160 = arith.constant 1 : i32
      "tpu.region"() ({
        %run_scoped3A_178 = tpu.sem_alloc : memref<!tpu.dma_semaphore, #tpu.memory_space<semaphore_mem>>
        %dma_start3A_179 = arith.constant 0 : i32
        %dma_start3A_180 = arith.constant 0 : i32
        %dma_start3A_181 = tpu.memref_slice %arg6[%run_scoped3A_159, %dma_start3A_179, %dma_start3A_180] : memref<2x64x512xf32, #tpu.memory_space<vmem>> -> memref<1x64x512xf32, #tpu.memory_space<vmem>>
        %dma_start3A_182 = tpu.memref_squeeze %dma_start3A_181 : memref<1x64x512xf32, #tpu.memory_space<vmem>> -> memref<64x512xf32, #tpu.memory_space<vmem>>
        %dma_start3A_183 = arith.constant 32 : i32
        %dma_start3A_184 = arith.constant 0 : i32
        %dma_start3A_185 = tpu.memref_slice %dma_start3A_182[%dma_start3A_183, %dma_start3A_184] : memref<64x512xf32, #tpu.memory_space<vmem>> -> memref<32x512xf32, #tpu.memory_space<vmem>>
        %dma_start3A_186 = arith.constant 0 : i32
        %dma_start3A_187 = arith.constant 0 : i32
        %dma_start3A_188 = arith.constant 0 : i32
        %dma_start3A_189 = tpu.memref_slice %arg7[%arg1, %dma_start3A_186, %dma_start3A_187, %dma_start3A_188] : memref<16x2x32x512xf32, #tpu.memory_space<vmem_shared>> -> memref<1x2x32x512xf32, #tpu.memory_space<vmem_shared>>
        %dma_start3A_190 = tpu.memref_squeeze %dma_start3A_189 : memref<1x2x32x512xf32, #tpu.memory_space<vmem_shared>> -> memref<2x32x512xf32, #tpu.memory_space<vmem_shared>>
        %dma_start3A_191 = arith.constant 0 : i32
        %dma_start3A_192 = arith.constant 0 : i32
        %dma_start3A_193 = tpu.memref_slice %dma_start3A_190[%run_scoped3A_160, %dma_start3A_191, %dma_start3A_192] : memref<2x32x512xf32, #tpu.memory_space<vmem_shared>> -> memref<1x32x512xf32, #tpu.memory_space<vmem_shared>>
        %dma_start3A_194 = tpu.memref_squeeze %dma_start3A_193 : memref<1x32x512xf32, #tpu.memory_space<vmem_shared>> -> memref<32x512xf32, #tpu.memory_space<vmem_shared>>
        %dma_start3A_195 = arith.constant 0 : i32
        %dma_start3A_196 = arith.constant 0 : i32
        %dma_start3A_197 = arith.constant 0 : i32
        %dma_start3A_198 = tpu.memref_slice %arg7[%arg1, %dma_start3A_195, %dma_start3A_196, %dma_start3A_197] : memref<16x2x32x512xf32, #tpu.memory_space<vmem_shared>> -> memref<1x2x32x512xf32, #tpu.memory_space<vmem_shared>>
        %dma_start3A_199 = tpu.memref_squeeze %dma_start3A_198 : memref<1x2x32x512xf32, #tpu.memory_space<vmem_shared>> -> memref<2x32x512xf32, #tpu.memory_space<vmem_shared>>
        %dma_start3A_200 = arith.constant 0 : i32
        %dma_start3A_201 = arith.constant 0 : i32
        %dma_start3A_202 = tpu.memref_slice %dma_start3A_199[%run_scoped3A_160, %dma_start3A_200, %dma_start3A_201] : memref<2x32x512xf32, #tpu.memory_space<vmem_shared>> -> memref<1x32x512xf32, #tpu.memory_space<vmem_shared>>
        %dma_start3A_203 = tpu.memref_squeeze %dma_start3A_202 : memref<1x32x512xf32, #tpu.memory_space<vmem_shared>> -> memref<32x512xf32, #tpu.memory_space<vmem_shared>>
        %dma_start3A_204 = arith.constant 0 : i32
        %dma_start3A_205 = arith.constant 0 : i32
        %dma_start3A_206 = tpu.memref_slice %arg6[%run_scoped3A_159, %dma_start3A_204, %dma_start3A_205] : memref<2x64x512xf32, #tpu.memory_space<vmem>> -> memref<1x64x512xf32, #tpu.memory_space<vmem>>
        %dma_start3A_207 = tpu.memref_squeeze %dma_start3A_206 : memref<1x64x512xf32, #tpu.memory_space<vmem>> -> memref<64x512xf32, #tpu.memory_space<vmem>>
        %dma_start3A_208 = arith.constant 32 : i32
        %dma_start3A_209 = arith.constant 0 : i32
        %dma_start3A_210 = tpu.memref_slice %dma_start3A_207[%dma_start3A_208, %dma_start3A_209] : memref<64x512xf32, #tpu.memory_space<vmem>> -> memref<32x512xf32, #tpu.memory_space<vmem>>
        tpu.enqueue_dma source(%dma_start3A_210 : memref<32x512xf32, #tpu.memory_space<vmem>>) target(%dma_start3A_203 : memref<32x512xf32, #tpu.memory_space<vmem_shared>>) target_semaphore(%run_scoped3A_178 : memref<!tpu.dma_semaphore, #tpu.memory_space<semaphore_mem>>)
        %dma_wait3A_211 = arith.constant 0 : i32
        %dma_wait3A_212 = arith.constant 0 : i32
        %dma_wait3A_213 = tpu.memref_slice %arg6[%run_scoped3A_159, %dma_wait3A_211, %dma_wait3A_212] : memref<2x64x512xf32, #tpu.memory_space<vmem>> -> memref<1x64x512xf32, #tpu.memory_space<vmem>>
        %dma_wait3A_214 = tpu.memref_squeeze %dma_wait3A_213 : memref<1x64x512xf32, #tpu.memory_space<vmem>> -> memref<64x512xf32, #tpu.memory_space<vmem>>
        %dma_wait3A_215 = arith.constant 32 : i32
        %dma_wait3A_216 = arith.constant 0 : i32
        %dma_wait3A_217 = tpu.memref_slice %dma_wait3A_214[%dma_wait3A_215, %dma_wait3A_216] : memref<64x512xf32, #tpu.memory_space<vmem>> -> memref<32x512xf32, #tpu.memory_space<vmem>>
        %dma_wait3A_218 = arith.constant 0 : i32
        %dma_wait3A_219 = arith.constant 0 : i32
        %dma_wait3A_220 = arith.constant 0 : i32
        %dma_wait3A_221 = tpu.memref_slice %arg7[%arg1, %dma_wait3A_218, %dma_wait3A_219, %dma_wait3A_220] : memref<16x2x32x512xf32, #tpu.memory_space<vmem_shared>> -> memref<1x2x32x512xf32, #tpu.memory_space<vmem_shared>>
        %dma_wait3A_222 = tpu.memref_squeeze %dma_wait3A_221 : memref<1x2x32x512xf32, #tpu.memory_space<vmem_shared>> -> memref<2x32x512xf32, #tpu.memory_space<vmem_shared>>
        %dma_wait3A_223 = arith.constant 0 : i32
        %dma_wait3A_224 = arith.constant 0 : i32
        %dma_wait3A_225 = tpu.memref_slice %dma_wait3A_222[%run_scoped3A_160, %dma_wait3A_223, %dma_wait3A_224] : memref<2x32x512xf32, #tpu.memory_space<vmem_shared>> -> memref<1x32x512xf32, #tpu.memory_space<vmem_shared>>
        %dma_wait3A_226 = tpu.memref_squeeze %dma_wait3A_225 : memref<1x32x512xf32, #tpu.memory_space<vmem_shared>> -> memref<32x512xf32, #tpu.memory_space<vmem_shared>>
        %dma_wait3A_227 = arith.constant 0 : i32
        %dma_wait3A_228 = arith.constant 0 : i32
        %dma_wait3A_229 = arith.constant 0 : i32
        %dma_wait3A_230 = tpu.memref_slice %arg7[%arg1, %dma_wait3A_227, %dma_wait3A_228, %dma_wait3A_229] : memref<16x2x32x512xf32, #tpu.memory_space<vmem_shared>> -> memref<1x2x32x512xf32, #tpu.memory_space<vmem_shared>>
        %dma_wait3A_231 = tpu.memref_squeeze %dma_wait3A_230 : memref<1x2x32x512xf32, #tpu.memory_space<vmem_shared>> -> memref<2x32x512xf32, #tpu.memory_space<vmem_shared>>
        %dma_wait3A_232 = arith.constant 0 : i32
        %dma_wait3A_233 = arith.constant 0 : i32
        %dma_wait3A_234 = tpu.memref_slice %dma_wait3A_231[%run_scoped3A_160, %dma_wait3A_232, %dma_wait3A_233] : memref<2x32x512xf32, #tpu.memory_space<vmem_shared>> -> memref<1x32x512xf32, #tpu.memory_space<vmem_shared>>
        %dma_wait3A_235 = tpu.memref_squeeze %dma_wait3A_234 : memref<1x32x512xf32, #tpu.memory_space<vmem_shared>> -> memref<32x512xf32, #tpu.memory_space<vmem_shared>>
        %dma_wait3A_236 = arith.constant 0 : i32
        %dma_wait3A_237 = arith.constant 0 : i32
        %dma_wait3A_238 = tpu.memref_slice %arg6[%run_scoped3A_159, %dma_wait3A_236, %dma_wait3A_237] : memref<2x64x512xf32, #tpu.memory_space<vmem>> -> memref<1x64x512xf32, #tpu.memory_space<vmem>>
        %dma_wait3A_239 = tpu.memref_squeeze %dma_wait3A_238 : memref<1x64x512xf32, #tpu.memory_space<vmem>> -> memref<64x512xf32, #tpu.memory_space<vmem>>
        %dma_wait3A_240 = arith.constant 32 : i32
        %dma_wait3A_241 = arith.constant 0 : i32
        %dma_wait3A_242 = tpu.memref_slice %dma_wait3A_239[%dma_wait3A_240, %dma_wait3A_241] : memref<64x512xf32, #tpu.memory_space<vmem>> -> memref<32x512xf32, #tpu.memory_space<vmem>>
        tpu.wait_dma2 semaphore(%run_scoped3A_178 : memref<!tpu.dma_semaphore, #tpu.memory_space<semaphore_mem>>) src(%dma_wait3A_242 : memref<32x512xf32, #tpu.memory_space<vmem>>) dst(%dma_wait3A_235 : memref<32x512xf32, #tpu.memory_space<vmem_shared>>)
        tpu.yield
      }) : () -> ()
      %mul3A_161 = arith.constant 64 : i32
      %mul3A_162 = arith.muli %add3A_111, %mul3A_161 : i32
      %add3A_163 = arith.addi %mul3A_2, %mul3A_162 : i32
      %add3A_164 = arith.constant 32 : i32
      %add3A_165 = arith.addi %add3A_163, %add3A_164 : i32
      %dma_start3A_166 = arith.constant 1 : i32
      %dma_start3A_167 = arith.constant 0 : i32
      %dma_start3A_168 = tpu.memref_slice %arg4[%add3A_165, %dma_start3A_167] : memref<204800x512xf32, #tpu.memory_space<hbm>> -> memref<32x512xf32, #tpu.memory_space<hbm>>
      %dma_start3A_169 = arith.constant 0 : i32
      %dma_start3A_170 = arith.constant 0 : i32
      %dma_start3A_171 = arith.constant 0 : i32
      %dma_start3A_172 = tpu.memref_slice %arg7[%arg1, %dma_start3A_169, %dma_start3A_170, %dma_start3A_171] : memref<16x2x32x512xf32, #tpu.memory_space<vmem_shared>> -> memref<1x2x32x512xf32, #tpu.memory_space<vmem_shared>>
      %dma_start3A_173 = tpu.memref_squeeze %dma_start3A_172 : memref<1x2x32x512xf32, #tpu.memory_space<vmem_shared>> -> memref<2x32x512xf32, #tpu.memory_space<vmem_shared>>
      %dma_start3A_174 = arith.constant 0 : i32
      %dma_start3A_175 = arith.constant 0 : i32
      %dma_start3A_176 = tpu.memref_slice %dma_start3A_173[%dma_start3A_166, %dma_start3A_174, %dma_start3A_175] : memref<2x32x512xf32, #tpu.memory_space<vmem_shared>> -> memref<1x32x512xf32, #tpu.memory_space<vmem_shared>>
      %dma_start3A_177 = tpu.memref_squeeze %dma_start3A_176 : memref<1x32x512xf32, #tpu.memory_space<vmem_shared>> -> memref<32x512xf32, #tpu.memory_space<vmem_shared>>
      tpu.enqueue_dma source(%dma_start3A_177 : memref<32x512xf32, #tpu.memory_space<vmem_shared>>) target(%dma_start3A_168 : memref<32x512xf32, #tpu.memory_space<hbm>>) target_semaphore(%arg11 : memref<!tpu.dma_semaphore, #tpu.memory_space<semaphore_mem>>)
    }
    %scan3A_18 = arith.constant 50 : i32
    %dma_wait3A = arith.constant 0 : i32
    %dma_wait3A_19 = arith.constant 0 : i32
    %dma_wait3A_20 = tpu.memref_slice %arg4[%mul3A_2, %dma_wait3A_19] : memref<204800x512xf32, #tpu.memory_space<hbm>> -> memref<32x512xf32, #tpu.memory_space<hbm>>
    %dma_wait3A_21 = arith.constant 0 : i32
    %dma_wait3A_22 = arith.constant 0 : i32
    %dma_wait3A_23 = arith.constant 0 : i32
    %dma_wait3A_24 = tpu.memref_slice %arg7[%arg1, %dma_wait3A_21, %dma_wait3A_22, %dma_wait3A_23] : memref<16x2x32x512xf32, #tpu.memory_space<vmem_shared>> -> memref<1x2x32x512xf32, #tpu.memory_space<vmem_shared>>
    %dma_wait3A_25 = tpu.memref_squeeze %dma_wait3A_24 : memref<1x2x32x512xf32, #tpu.memory_space<vmem_shared>> -> memref<2x32x512xf32, #tpu.memory_space<vmem_shared>>
    %dma_wait3A_26 = arith.constant 0 : i32
    %dma_wait3A_27 = arith.constant 0 : i32
    %dma_wait3A_28 = tpu.memref_slice %dma_wait3A_25[%dma_wait3A, %dma_wait3A_26, %dma_wait3A_27] : memref<2x32x512xf32, #tpu.memory_space<vmem_shared>> -> memref<1x32x512xf32, #tpu.memory_space<vmem_shared>>
    %dma_wait3A_29 = tpu.memref_squeeze %dma_wait3A_28 : memref<1x32x512xf32, #tpu.memory_space<vmem_shared>> -> memref<32x512xf32, #tpu.memory_space<vmem_shared>>
    tpu.wait_dma2 semaphore(%arg10 : memref<!tpu.dma_semaphore, #tpu.memory_space<semaphore_mem>>) src(%dma_wait3A_29 : memref<32x512xf32, #tpu.memory_space<vmem_shared>>) dst(%dma_wait3A_20 : memref<32x512xf32, #tpu.memory_space<hbm>>)
    %dma_wait3A_30 = arith.constant 1 : i32
    %dma_wait3A_31 = arith.constant 0 : i32
    %dma_wait3A_32 = tpu.memref_slice %arg4[%mul3A_2, %dma_wait3A_31] : memref<204800x512xf32, #tpu.memory_space<hbm>> -> memref<32x512xf32, #tpu.memory_space<hbm>>
    %dma_wait3A_33 = arith.constant 0 : i32
    %dma_wait3A_34 = arith.constant 0 : i32
    %dma_wait3A_35 = arith.constant 0 : i32
    %dma_wait3A_36 = tpu.memref_slice %arg7[%arg1, %dma_wait3A_33, %dma_wait3A_34, %dma_wait3A_35] : memref<16x2x32x512xf32, #tpu.memory_space<vmem_shared>> -> memref<1x2x32x512xf32, #tpu.memory_space<vmem_shared>>
    %dma_wait3A_37 = tpu.memref_squeeze %dma_wait3A_36 : memref<1x2x32x512xf32, #tpu.memory_space<vmem_shared>> -> memref<2x32x512xf32, #tpu.memory_space<vmem_shared>>
    %dma_wait3A_38 = arith.constant 0 : i32
    %dma_wait3A_39 = arith.constant 0 : i32
    %dma_wait3A_40 = tpu.memref_slice %dma_wait3A_37[%dma_wait3A_30, %dma_wait3A_38, %dma_wait3A_39] : memref<2x32x512xf32, #tpu.memory_space<vmem_shared>> -> memref<1x32x512xf32, #tpu.memory_space<vmem_shared>>
    %dma_wait3A_41 = tpu.memref_squeeze %dma_wait3A_40 : memref<1x32x512xf32, #tpu.memory_space<vmem_shared>> -> memref<32x512xf32, #tpu.memory_space<vmem_shared>>
    tpu.wait_dma2 semaphore(%arg11 : memref<!tpu.dma_semaphore, #tpu.memory_space<semaphore_mem>>) src(%dma_wait3A_41 : memref<32x512xf32, #tpu.memory_space<vmem_shared>>) dst(%dma_wait3A_32 : memref<32x512xf32, #tpu.memory_space<hbm>>)
    return
  }
}

</mosaic_0001>

<sc_bundles>
// kernel: kernel.3.cloned.1.call-start
scs
__scs_entry_jumppad:
0x0: {  	(pc) =	sbr.rel $0x88, $3  }
0x1: {  	(tag) =	ssettag $0x0;
	lr =	simm.s32 $0x1  }
0x2: {  	[smem:$0x3F9F] =	sst lr;
	_ =	strace $0xD0000000  }
0x3: {  	_ = 	snop  }
0x4: {  	_ = 	snop  }
0x5: {  	_ = 	snop  }
0x6: {  	_ = 	snop  }
0x7: {  	_ = 	snop  }
__scs_overlays_trampoline_lowered:
0x8: {  	[smem:$0x3FAE] =	sst s0  }
0x9: {  	[smem:$0x3FAF] =	sst s1  }
0xa: {  	[smem:$0x3FB0] =	sst s2  }
0xb: {  	[smem:$0x3FB1] =	sst s3  }
0xc: {  	[smem:$0x3FB2] =	sst s4  }
0xd: {  	[smem:$0x3FB3] =	sst s5  }
0xe: {  	[smem:$0x3FB4] =	sst s6  }
0xf: {  	[smem:$0x3FB5] =	sst s7  }
0x10: {  	[smem:$0x3FB6] =	sst s8  }
0x11: {  	[smem:$0x3FB7] =	sst s9;
	s0 =	simm.s32 @!p0 $0x0  }
0x12: {  	s1 =	sld [smem:$0x3F9D];
	s0 =	simm.s32 @p0 $0x1  }
0x13: {  	[smem:$0x3FB8] =	sst s0;
	s0 =	simm.s32 @!p1 $0x0  }
0x14: {  	s2 =	sld [smem:$0x3F9C];
	s0 =	simm.s32 @p1 $0x1  }
0x15: {  	[smem:$0x3FB9] =	sst s0;
	s0 =	simm.s32 @!p2 $0x0  }
0x16: {  	s3 =	sld [smem:$0x3FDB];
	s0 =	simm.s32 @p2 $0x1  }
0x17: {  	s4 =	simm.s32 $0x1BF5;
	[smem:$0x3FBB] =	sst s0  }
0x18: {  	s0 =	sld [smem:$0x3F9E];
	_ =	swait.ge [sflag:s4], $0x0  }
0x19: {  	s7 =	sld [smem:$0x3F9F]  }
0x1a: {  	s8 =	sadd.s32 $0xFFFFE003, lr  }
0x1b: {  	s9 =	sadd.s32 $0xFFFFFEF7, lr;
	s5 =	simm.s32 $0xFFFFFFFF;
	p2 =	slt.u32 s8, $0xFFFFF086  }
0x1c: {  	p1 =	slt.u32 s9, $0xF7A;
	s5 =	simm.s32 @!p2 $0x0  }
0x1d: {  	s5 =	simm.s32 @p1 $0x1;
	p0 =	seq.s32 s7, s2  }
0x1e: {  	s7 =	smul.u32 @!p0 $0xF7A, s2;
	p2 =	seq.s32 @!p0 s5, $0x0  }
0x1f: {  	s9 =	smul.u32 $0xF7A, s1;
	s8 =	simm.s32 @!p0 $0x1BF5;
	p2 =	por !p2, p0  }
0x20: {  	[sflag:s8] =	ssyncset.s32 @!p0 $0xFFFFF086;
	s6 =	sadd.s32 @!p0 s3, s7;
	s7 =	simm.s32 @!p0 $0x108  }
0x21: {  	s3 =	sadd.s32 s3, s9;
	s6 =	sadd.s32 @!p0 $0x88, s6;
	s7 =	simm.s32 @p2 $0x1082  }
0x22: {  	[simem:s7], [sflag:s8] =	dma.local @!p0 [hbm:s6], $0xF7A  }
0x23: {  	s9 =	sor.u32 $0xD0000000, s2;
	s6 =	simm.s32 $0x108;
	_ =	swait.ge @!p0 [sflag:s8], $0x0  }
0x24: {  	s3 =	sadd.s32 $0x88, s3;
	s6 =	simm.s32 @!p1 $0x1082;
	[sflag:s4] =	ssyncset.s32 $0xFFFFF086  }
0x25: {  	[simem:s6], [sflag:s4] =	dma.local [hbm:s3], $0xF7A  }
0x26: {  	[smem:$0x3F9F] =	sst s1;
	(tag) =	ssettag s2;
	_ =	strace s9  }
0x27: {  	s1 =	sld [smem:$0x3FAF]  }
0x28: {  	s2 =	sld [smem:$0x3FB0]  }
0x29: {  	s4 =	sld [smem:$0x3FB2]  }
0x2a: {  	p0 =	seq.s32 s5, $0x0;
	s5 =	sld [smem:$0x3FB3]  }
0x2b: {  	s6 =	sld [smem:$0x3FB4]  }
0x2c: {  	s7 =	sld [smem:$0x3FB5]  }
0x2d: {  	s3 =	simm.s32 $0x108;
	s8 =	sld [smem:$0x3FB6]  }
0x2e: {  	s3 =	simm.s32 @!p0 $0x1082;
	s9 =	sld [smem:$0x3FB7]  }
0x2f: {  	lr =	sadd.s32 s0, s3;
	s0 =	sld [smem:$0x3FAE]  }
0x30: {  	s3 =	sld [smem:$0x3FB1]  }
0x31: {  	[smem:$0x3FBA] =	sst s10  }
0x32: {  	s10 =	sld [smem:$0x3FB8];
	_ =	sdelay $0x3  }
0x33: {  	p0 =	seq.s32 s10, $0x1;
	s10 =	sld [smem:$0x3FBA];
	_ =	sdelay $0x3  }
0x34: {  	[smem:$0x3FBA] =	sst s10  }
0x35: {  	s10 =	sld [smem:$0x3FB9];
	_ =	sdelay $0x3  }
0x36: {  	p1 =	seq.s32 s10, $0x1;
	s10 =	sld [smem:$0x3FBA];
	_ =	sdelay $0x3  }
0x37: {  	[smem:$0x3FBA] =	sst s10  }
0x38: {  	s10 =	sld [smem:$0x3FBB]  }
0x39: {  	_ = 	snop;
	(pc) =	sbr.ind lr, $3  }
0x3a: {  	_ = 	snop  }
0x3b: {  	_ = 	snop  }
0x3c: {  	p2 =	seq.s32 s10, $0x1;
	s10 =	sld [smem:$0x3FBA]  }
0x3d: {  	_ =	shalt  }
0x3e: {  	_ =	shalt  }
0x3f: {  	_ =	shalt  }
0x40: {  	_ =	shalt  }
0x41: {  	_ =	shalt  }
0x42: {  	_ =	shalt  }
0x43: {  	_ =	shalt  }
0x44: {  	_ =	shalt  }
0x45: {  	_ =	shalt  }
0x46: {  	_ =	shalt  }
0x47: {  	_ =	shalt  }
0x48: {  	_ =	shalt  }
0x49: {  	_ =	shalt  }
0x4a: {  	_ =	shalt  }
0x4b: {  	_ =	shalt  }
0x4c: {  	_ =	shalt  }
0x4d: {  	_ =	shalt  }
0x4e: {  	_ =	shalt  }
0x4f: {  	_ =	shalt  }
0x50: {  	_ =	shalt  }
0x51: {  	_ =	shalt  }
0x52: {  	_ =	shalt  }
0x53: {  	_ =	shalt  }
0x54: {  	_ =	shalt  }
0x55: {  	_ =	shalt  }
0x56: {  	_ =	shalt  }
0x57: {  	_ =	shalt  }
0x58: {  	_ =	shalt  }
0x59: {  	_ =	shalt  }
0x5a: {  	_ =	shalt  }
0x5b: {  	_ =	shalt  }
0x5c: {  	_ =	shalt  }
0x5d: {  	_ =	shalt  }
0x5e: {  	_ =	shalt  }
0x5f: {  	_ =	shalt  }
0x60: {  	_ =	shalt  }
0x61: {  	_ =	shalt  }
0x62: {  	_ =	shalt  }
0x63: {  	_ =	shalt  }
0x64: {  	_ =	shalt  }
0x65: {  	_ =	shalt  }
0x66: {  	_ =	shalt  }
0x67: {  	_ =	shalt  }
0x68: {  	_ =	shalt  }
0x69: {  	_ =	shalt  }
0x6a: {  	_ =	shalt  }
0x6b: {  	_ =	shalt  }
0x6c: {  	_ =	shalt  }
0x6d: {  	_ =	shalt  }
0x6e: {  	_ =	shalt  }
0x6f: {  	_ =	shalt  }
0x70: {  	_ =	shalt  }
0x71: {  	_ =	shalt  }
0x72: {  	_ =	shalt  }
0x73: {  	_ =	shalt  }
0x74: {  	_ =	shalt  }
0x75: {  	_ =	shalt  }
0x76: {  	_ =	shalt  }
0x77: {  	_ =	shalt  }
0x78: {  	_ =	shalt  }
0x79: {  	_ =	shalt  }
0x7a: {  	_ =	shalt  }
0x7b: {  	_ =	shalt  }
0x7c: {  	_ =	shalt  }
0x7d: {  	_ =	shalt  }
0x7e: {  	_ =	shalt  }
0x7f: {  	_ =	shalt  }
0x80: {  	_ =	shalt  }
0x81: {  	_ =	shalt  }
0x82: {  	_ =	shalt  }
0x83: {  	_ =	shalt  }
0x84: {  	_ =	shalt  }
0x85: {  	_ =	shalt  }
0x86: {  	_ =	shalt  }
0x87: {  	_ =	shalt  }
.Lfunc_end0:
.L_simem_size_0:
called_computation_lowered:
.L_overlay_start_0:
0x88: {  	s2 =	sld [smem:$0x3FD9]  }
0x89: {  	s3 =	sld [smem:$0x3FFE];
	_ =	sdelay $0x1  }
0x8a: {  	s1 =	srdreg.scid  }
0x8b: {  	s0 =	sand.u32 $0x1, s1  }
0x8c: {  	s17 =	sshll.u32 s0, $0xA;
	s2 =	sadd.s32 s3, s2  }
0x8d: {  	s2 =	sadd.s32 s2, s17  }
0x8e: {  	[smem:$0x3FC6] =	sst s2  }
0x8f: {  	_ = 	snop  }
0x90: {  	s2 =	sld [smem:$0x3FC8]  }
0x91: {  	s18 =	sld [smem:$0x3FD0];
	(tm) =	ssettm $0x1  }
0x92: {  	s4 =	sld [smem:$0x3FFB];
	_ =	sdelay $0x3  }
0x93: {  	_ =	strace s4  }
0x94: {  	s4 =	sld [smem:$0x3FFC];
	_ =	sdelay $0x3  }
0x95: {  	_ =	strace s4  }
0x96: {  	s4 =	sld [smem:$0x3FFD];
	_ =	sdelay $0x3  }
0x97: {  	_ =	strace s4  }
0x98: {  	_ =	strace $0x8FFFFFFF  }
0x99: {  	s19 =	sld [smem:$0x3FDB];
	_ =	sdelay $0x1  }
0x9a: {  	s5 =	simm.s32 $_scs_section_size  }
0x9b: {  	s6 =	simm.s32 $_size__tile_overlayer_lowered;
	s7 =	simm.s32 $_tile_overlayer_lowered  }
0x9c: {  	s22 =	simm.s32 $0x1BFF;
	s21 =	sshll.u32 s7, $0x1;
	s4 =	sadd.s32 s5, s19  }
0x9d: {  	s8 =	simm.s32 $0x0;
	s20 =	sshll.u32 s6, $0x1;
	s6 =	sadd.s32 s21, s4  }
0x9e: {  	[timem:s8], [sflag:s22] =	dma.local [hbm:s6], s20  }
0x9f: {  	_ =	swait.ge [sflag:s22], s20  }
0xa0: {  	s5 =	ssub.s32 $0x0, s20;
	[sflag:s22] =	ssyncset.done $0x0  }
0xa1: {  	[sflag:s22] =	ssyncadd.s32 s5;
	_ =	sdelay $0x1  }
0xa2: {  	s23 =	simm.s32 $0x1B8B  }
0xa3: {  	_ =	swait.ge [sflag:s23], $0x1  }
0xa4: {  	[sflag:s23] =	ssyncset.done $0x0  }
0xa5: {  	s25 =	simm.s32 $0x1B8E;
	s24 =	sld [smem:$0x3FFE];
	[sflag:s23] =	ssyncadd.s32 $0xFFFFFFFF  }
0xa6: {  	s26 =	simm.s32 $execute0_lowered;
	[smem:$0x3FD2] =	sst s25  }
0xa7: {  	s6 =	sshll.u32 s26, $0x1;
	_ =	strace $0x80000046;
	[dreg:$0x1] =	wrdreg $0xFFFFFFFF  }
0xa8: {  	s28 =	simm.s32 $_size_execute0_lowered;
	s4 =	sadd.s32 s4, s6;
	[dreg:$0x0] =	wrdreg $0x0  }
0xa9: {  	s6 =	sshll.u32 s28, $0x1;
	[dreg:$0x2] =	wrdreg s4  }
0xaa: {  	[dreg:$0x3] =	wrdreg s6  }
0xab: {  	[dreg:$0x4] =	wrdreg $0xC0  }
0xac: {  	_ =	task [dreg:s8], $0x5FFFF  }
0xad: {  	[dreg:$0x1] =	wrdreg $0xFFFFFFFF  }
0xae: {  	[dreg:$0x0] =	wrdreg $0x60  }
0xaf: {  	[dreg:$0x2] =	wrdreg s2  }
0xb0: {  	[dreg:$0x3] =	wrdreg s24  }
0xb1: {  	[dreg:$0x4] =	wrdreg s18  }
0xb2: {  	[dreg:$0x5] =	wrdreg $0x134000  }
0xb3: {  	[dreg:$0x6] =	wrdreg $0x9  }
0xb4: {  	_ =	task.clear_ibuf [dreg:s8], $0x7FFFF;
	_ =	strace $0x90000046  }
0xb5: {  	s29 =	simm.s32 $0x9;
	_ =	strace $0x80000048  }
0xb6: {  	_ =	swait.ge [sflag:s29], $0x1  }
0xb7: {  	[sflag:s29] =	ssyncadd.s32 $0xFFFFFFFF  }
0xb8: {  	_ =	strace $0x90000048  }
0xb9: {  	_ =	sfence  }
0xba: {  	s30 =	sld [smem:$0x0];
	_ =	sdelay $0x2  }
0xbb: {  	s31 =	sshll.u32 s1, $0xD;
	s1 =	sshrl.u32 s1, $0x2  }
0xbc: {  	s3 =	sand.u32 $0x4000, s31;
	s1 =	sadd.s32 s1, s30  }
0xbd: {  	s0 =	sor.u32 s3, s0;
	s1 =	sshll.u32 s1, $0x11  }
0xbe: {  	s0 =	sor.u32 s1, s0  }
0xbf: {  	s0 =	sadd.s32 $0x8F2B, s0  }
0xc0: {  	[sflag:s0] =	ssyncadd.remote.s32 $0x1  }
0xc1: {  	_ =	sfence.sel $0xFFFF  }
0xc2: {  	[dreg:$0x0] =	wrdreg $0xFFFFFFFF;
	(pc) =	sbr.abs _section_cstart, $3  }
0xc3: {  	[dreg:$0x1] =	wrdreg $0xFFFFFFFF  }
0xc4: {  	_ =	task.clear_ibuf [dreg:s8], $0x2FFFF;
	_ =	strace $0x9FFFFFFF  }
0xc5: {  	(tm) =	ssettm $0x7FFFFFFF  }
tec
execute0_lowered:
.L_overlay_start_1:
0x0: {  	(tag) =	ssettag $0x1  }
0x1: {  	s1 =	rddreg [dreg:$0x0]  }
0x2: {  	s0 =	rddreg [dreg:$0x1]  }
0x3: {  	s2 =	rddreg [dreg:$0x2];
	s3 =	srdreg.scid  }
0x4: {  	s9 =	stileid.u32;
	s4 =	rddreg [dreg:$0x3]  }
0x5: {  	s10 =	simm.s32 $0x5;
	s11 =	simm.s32 $0x3400;
	s19 =	simm.s32 $0x7400  }
0x6: {  	s28 =	simm.s32 $0xB400;
	s12 =	simm.s32 $0xEC00;
	s13 =	simm.s32 $0xF400  }
0x7: {  	s14 =	simm.s32 $0xFC00;
	s15 =	simm.s32 $0x10400;
	s16 =	simm.s32 $0x10C00  }
0x8: {  	s17 =	simm.s32 $0x11400;
	s18 =	simm.s32 $0x11C00;
	s20 =	simm.s32 $0x12400  }
0x9: {  	s21 =	simm.s32 $0x12C00;
	s22 =	simm.s32 $0x1;
	s23 =	simm.s32 $0x2  }
0xa: {  	s24 =	simm.s32 $0x3;
	s25 =	simm.s32 $0x4;
	s7 =	sand.u32 $0x1, s3  }
0xb: {  	s26 =	sshll.u32 s9, $0x1;
	s29 =	sshll.u32 s9, $0xF;
	s9 =	smul.u32 $0xC8000, s9  }
0xc: {  	s3 =	simm.s32 $0x0;
	s5 =	sor.u32 s7, s26;
	s30 =	smul.u32 $0x64000, s7  }
0xd: {  	s6 =	ssub.s32 $0x2, s7;
	[smem:$0x7FF] =	sst s3;
	s5 =	smul.u32 $0x680, s5  }
.Ltmp0:
0xe: {  	s8 =	sshrl.u32 s6, $0x1;
	_ =	strace $0x80000047;
	(pc) =	sbr.rel .LBB2_1-.Ltmp0, $4  }
0xf: {  	s2 =	sadd.s32 s9, s2;
	s8 =	ssub.s32 s6, s8;
	s6 =	sadd.s32 s29, s4  }
0x10: {  	v2 =	vlaneseq.u32;
	s9 =	sadd.s32 s30, s2;
	s0 =	sadd.s32 s5, s0;
	s31 =	smax.u32 s8, $0x1  }
0x11: {  	vm0 =	vmmov $0xffff;
	v1 =	vshrl.u32 v2, $0x3;
	s2 =	simm.s32 $0x0;
	s0 =	sadd.s32 $0x400, s0;
	[dreg:$0x6] =	wrdreg s31  }
0x12: {  	v0 =	vand.u32 $0x7, v2;
	v2 =	vor.u32 $0x8, v2;
	v1 =	vmul.u32 $0x8, v1;
	s5 =	sadd.s32 $0x100, s1;
	s7 =	sadd.s32 $0x4000, s6;
	[dreg:$0x5] =	wrdreg s0  }
.LBB2_5:
0x13: {  	_ =	swait.ge [sflag:s24], $0x800  }
0x14: {  	[sflag:s24] =	ssyncset.done $0x0  }
0x15: {  	[sflag:s24] =	ssyncadd.s32 $0xFFFFF800  }
0x16: {  	_ =	swait.ge [sflag:s25], $0x800  }
0x17: {  	s2 =	rddreg [dreg:$0x7]  }
0x18: {  	s0 =	rddreg [dreg:$0x6];
	s2 =	sadd.s32 $0x1, s2  }
0x19: {  	p0 =	sne.s32 s2, s0  }
.Ltmp1:
0x1a: {  	_ = 	snop;
	(pc) =	sbr.rel @!p0 .LBB2_6-.Ltmp1, $3  }
0x1b: {  	_ =	sdelay $0x1  }
0x1c: {  	[sflag:s25] =	ssyncset.done $0x0  }
0x1d: {  	[sflag:s25] =	ssyncadd.s32 $0xFFFFF800  }
.LBB2_1:
0x1e: {  	[dreg:$0x7] =	wrdreg s2  }
0x1f: {  	s0 =	rddreg [dreg:$0x5]  }
0x20: {  	[tilespmem:s3], [sflag:$0x5] =	stream.linear.gather [hbm4b:s0+s3], $0x3200, $0x38;
	[tilespmem:$0x1B400] =	vst v63  }
0x21: {  	_ =	swait.ge [sflag:s10], $0x3200  }
0x22: {  	[sflag:s10] =	ssyncset.done $0x0  }
0x23: {  	[sflag:s10] =	ssyncadd.s32 $0xFFFFCE00  }
0x24: {  	v3 =	vld [tilespmem:$0x0];
	_ =	sdelay $0x4  }
0x25: {  	v4 =	vshll.u32 v3, $0x2  }
0x26: {  	v3 =	vand.u32 $0x7, v3;
	v4 =	vand.u32 $0xFFFFFFE0, v4  }
0x27: {  	v3 =	vor.u32 v3, v4  }
0x28: {  	v4 =	vperm.xlane v3, v0;
	_ =	sdelay $0x1  }
0x29: {  	v4 =	vadd.s32 v1, v4;
	_ =	sdelay $0x1  }
0x2a: {  	v3 =	vperm.xlane v3, v2;
	_ =	sdelay $0x1  }
0x2b: {  	v3 =	vadd.s32 v1, v3  }
0x2c: {  	[tilespmem:s11], [sflag:$0x1] =	stream.indirect_vreg.gather [hbm4b:s1+s3], $0x80, v4, vm0, $0xb8;
	[tilespmem:$0x1B400] =	vst v63  }
0x2d: {  	s2 =	simm.s32 $0x3C00  }
0x2e: {  	[tilespmem:s2], [sflag:$0x1] =	stream.indirect_vreg.gather [hbm4b:s5+s3], $0x80, v4, vm0, $0xb8;
	[tilespmem:$0x1B400] =	vst v63  }
0x2f: {  	s4 =	simm.s32 $0x4400  }
0x30: {  	[tilespmem:s4], [sflag:$0x1] =	stream.indirect_vreg.gather [hbm4b:s1+s3], $0x80, v3, vm0, $0xb8;
	[tilespmem:$0x1B400] =	vst v63  }
0x31: {  	s8 =	simm.s32 $0x4C00  }
0x32: {  	[tilespmem:s8], [sflag:$0x1] =	stream.indirect_vreg.gather [hbm4b:s5+s3], $0x80, v3, vm0, $0xb8;
	[tilespmem:$0x1B400] =	vst v63  }
0x33: {  	v3 =	vld [tilespmem:$0x10];
	_ =	sdelay $0x4  }
0x34: {  	v61 =	vshll.u32 v3, $0x2  }
0x35: {  	v3 =	vand.u32 $0x7, v3;
	v4 =	vand.u32 $0xFFFFFFE0, v61  }
0x36: {  	v3 =	vor.u32 v3, v4  }
0x37: {  	v4 =	vperm.xlane v3, v0;
	_ =	sdelay $0x1  }
0x38: {  	v4 =	vadd.s32 v1, v4;
	_ =	sdelay $0x1  }
0x39: {  	v3 =	vperm.xlane v3, v2;
	_ =	sdelay $0x1  }
0x3a: {  	s26 =	simm.s32 $0x5400;
	v3 =	vadd.s32 v1, v3  }
0x3b: {  	[tilespmem:s26], [sflag:$0x1] =	stream.indirect_vreg.gather [hbm4b:s1+s3], $0x80, v4, vm0, $0xb8;
	[tilespmem:$0x1B400] =	vst v63  }
0x3c: {  	s29 =	simm.s32 $0x5C00  }
0x3d: {  	[tilespmem:s29], [sflag:$0x1] =	stream.indirect_vreg.gather [hbm4b:s5+s3], $0x80, v4, vm0, $0xb8;
	[tilespmem:$0x1B400] =	vst v63  }
0x3e: {  	s30 =	simm.s32 $0x6400  }
0x3f: {  	[tilespmem:s30], [sflag:$0x1] =	stream.indirect_vreg.gather [hbm4b:s1+s3], $0x80, v3, vm0, $0xb8;
	[tilespmem:$0x1B400] =	vst v63  }
0x40: {  	s31 =	simm.s32 $0x6C00  }
0x41: {  	[tilespmem:s31], [sflag:$0x1] =	stream.indirect_vreg.gather [hbm4b:s5+s3], $0x80, v3, vm0, $0xb8;
	[tilespmem:$0x1B400] =	vst v63  }
0x42: {  	v3 =	vld [tilespmem:$0x20];
	_ =	sdelay $0x4  }
0x43: {  	v62 =	vshll.u32 v3, $0x2  }
0x44: {  	v3 =	vand.u32 $0x7, v3;
	v4 =	vand.u32 $0xFFFFFFE0, v62  }
0x45: {  	v3 =	vor.u32 v3, v4  }
0x46: {  	v4 =	vperm.xlane v3, v0;
	_ =	sdelay $0x1  }
0x47: {  	v4 =	vadd.s32 v1, v4;
	_ =	sdelay $0x1  }
0x48: {  	v3 =	vperm.xlane v3, v2;
	_ =	sdelay $0x1  }
0x49: {  	v3 =	vadd.s32 v1, v3  }
0x4a: {  	[tilespmem:s19], [sflag:$0x1] =	stream.indirect_vreg.gather [hbm4b:s1+s3], $0x80, v4, vm0, $0xb8;
	[tilespmem:$0x1B400] =	vst v63  }
0x4b: {  	s2 =	simm.s32 $0x7C00  }
0x4c: {  	[tilespmem:s2], [sflag:$0x1] =	stream.indirect_vreg.gather [hbm4b:s5+s3], $0x80, v4, vm0, $0xb8;
	[tilespmem:$0x1B400] =	vst v63  }
0x4d: {  	s4 =	simm.s32 $0x8400  }
0x4e: {  	[tilespmem:s4], [sflag:$0x1] =	stream.indirect_vreg.gather [hbm4b:s1+s3], $0x80, v3, vm0, $0xb8;
	[tilespmem:$0x1B400] =	vst v63  }
0x4f: {  	s8 =	simm.s32 $0x8C00  }
0x50: {  	[tilespmem:s8], [sflag:$0x1] =	stream.indirect_vreg.gather [hbm4b:s5+s3], $0x80, v3, vm0, $0xb8;
	[tilespmem:$0x1B400] =	vst v63  }
0x51: {  	v3 =	vld [tilespmem:$0x30];
	_ =	sdelay $0x4  }
0x52: {  	v63 =	vshll.u32 v3, $0x2  }
0x53: {  	v3 =	vand.u32 $0x7, v3;
	v4 =	vand.u32 $0xFFFFFFE0, v63  }
0x54: {  	v3 =	vor.u32 v3, v4  }
0x55: {  	v4 =	vperm.xlane v3, v0;
	_ =	sdelay $0x1  }
0x56: {  	v4 =	vadd.s32 v1, v4;
	_ =	sdelay $0x2  }
0x57: {  	v3 =	vperm.xlane v3, v2  }
0x58: {  	s26 =	simm.s32 $0x9400  }
0x59: {  	v3 =	vadd.s32 v1, v3;
	[tilespmem:s26], [sflag:$0x1] =	stream.indirect_vreg.gather [hbm4b:s1+s3], $0x80, v4, vm0, $0xb8;
	[tilespmem:$0x1B400] =	vst v63  }
0x5a: {  	s29 =	simm.s32 $0x9C00  }
0x5b: {  	[tilespmem:s29], [sflag:$0x1] =	stream.indirect_vreg.gather [hbm4b:s5+s3], $0x80, v4, vm0, $0xb8;
	[tilespmem:$0x1B400] =	vst v63  }
.Ltmp2:
0x5c: {  	_ = 	snop;
	(pc) =	sbr.rel .LBB2_2-.Ltmp2, $4  }
0x5d: {  	s30 =	simm.s32 $0xA400  }
0x5e: {  	[tilespmem:s30], [sflag:$0x1] =	stream.indirect_vreg.gather [hbm4b:s1+s3], $0x80, v3, vm0, $0xb8;
	[tilespmem:$0x1B400] =	vst v63  }
0x5f: {  	s0 =	simm.s32 $0x0;
	s31 =	simm.s32 $0xAC00;
	s26 =	simm.s32 $0xA0  }
0x60: {  	[tilespmem:s31], [sflag:$0x1] =	stream.indirect_vreg.gather [hbm4b:s5+s3], $0x80, v3, vm0, $0xb8;
	[tilespmem:$0x1B400] =	vst v63  }
.LBB2_4:
0x61: {  	_ =	swait.ge [sflag:s23], $0x8000  }
0x62: {  	[sflag:s23] =	ssyncset.done $0x0  }
0x63: {  	[sflag:s23] =	ssyncadd.s32 $0xFFFF8000  }
0x64: {  	_ =	swait.ge [sflag:s24], $0x800  }
0x65: {  	[sflag:s24] =	ssyncset.done $0x0  }
0x66: {  	[sflag:s24] =	ssyncadd.s32 $0xFFFFF800  }
0x67: {  	[spmem:s6] =	stream.linear.scatter [tilespmem:s28], [sflag:$0x5], $0x4000, $0x38;
	[tilespmem:$0x1B400] =	vst v63  }
0x68: {  	_ =	swait.ge [sflag:s10], $0x4000  }
0x69: {  	[sflag:s10] =	ssyncset.done $0x0  }
0x6a: {  	s8 =	sadd.s32 $0x1000, s29;
	[sflag:s10] =	ssyncadd.s32 $0xFFFFC000  }
0x6b: {  	[hbm:s8], [sflag:s30] =	dma.local [spmem:s31], $0x800  }
0x6c: {  	_ =	swait.ge [sflag:s25], $0x800  }
0x6d: {  	s0 =	sadd.s32 $0x2000, s0;
	[sflag:s25] =	ssyncset.done $0x0  }
0x6e: {  	p0 =	sne.s32 s0, $0x64000;
	[sflag:s25] =	ssyncadd.s32 $0xFFFFF800  }
0x6f: {  	[spmem:s7] =	stream.linear.scatter [tilespmem:s13], [sflag:$0x5], $0x4000, $0x38;
	[tilespmem:$0x1B400] =	vst v63  }
.Ltmp3:
0x70: {  	_ = 	snop;
	(pc) =	sbr.rel @!p0 .LBB2_5-.Ltmp3, $4  }
0x71: {  	_ =	swait.ge [sflag:s10], $0x4000  }
0x72: {  	[sflag:s10] =	ssyncset.done $0x0  }
0x73: {  	s26 =	sadd.s32 $0x100, s26;
	s31 =	sadd.s32 $0x1800, s29;
	[sflag:s10] =	ssyncadd.s32 $0xFFFFC000  }
0x74: {  	[hbm:s31], [sflag:s2] =	dma.local [spmem:s4], $0x800  }
.LBB2_2:
0x75: {  	v3 =	vld [tilespmem:s26+$0xFFFFFFE0];
	_ =	sdelay $0x4  }
0x76: {  	v4 =	vshll.u32 v3, $0x2  }
0x77: {  	v3 =	vand.u32 $0x7, v3;
	v4 =	vand.u32 $0xFFFFFFE0, v4  }
0x78: {  	v3 =	vor.u32 v3, v4  }
0x79: {  	v4 =	vperm.xlane v3, v0;
	_ =	sdelay $0x1  }
0x7a: {  	v4 =	vadd.s32 v1, v4;
	_ =	sdelay $0x1  }
0x7b: {  	v3 =	vperm.xlane v3, v2;
	_ =	sdelay $0x1  }
0x7c: {  	v3 =	vadd.s32 v1, v3  }
0x7d: {  	[tilespmem:s28], [sflag:$0x2] =	stream.indirect_vreg.gather [hbm4b:s1+s3], $0x80, v4, vm0, $0xb8;
	[tilespmem:$0x1B400] =	vst v63  }
0x7e: {  	s2 =	simm.s32 $0xBC00  }
0x7f: {  	[tilespmem:s2], [sflag:$0x2] =	stream.indirect_vreg.gather [hbm4b:s5+s3], $0x80, v4, vm0, $0xb8;
	[tilespmem:$0x1B400] =	vst v63  }
0x80: {  	s4 =	simm.s32 $0xC400  }
0x81: {  	[tilespmem:s4], [sflag:$0x2] =	stream.indirect_vreg.gather [hbm4b:s1+s3], $0x80, v3, vm0, $0xb8;
	[tilespmem:$0x1B400] =	vst v63  }
0x82: {  	s8 =	simm.s32 $0xCC00  }
0x83: {  	[tilespmem:s8], [sflag:$0x2] =	stream.indirect_vreg.gather [hbm4b:s5+s3], $0x80, v3, vm0, $0xb8;
	[tilespmem:$0x1B400] =	vst v63  }
0x84: {  	v3 =	vld [tilespmem:s26+$0xFFFFFFF0];
	_ =	sdelay $0x4  }
0x85: {  	v61 =	vshll.u32 v3, $0x2  }
0x86: {  	v3 =	vand.u32 $0x7, v3;
	v4 =	vand.u32 $0xFFFFFFE0, v61  }
0x87: {  	v3 =	vor.u32 v3, v4  }
0x88: {  	v4 =	vperm.xlane v3, v0;
	_ =	sdelay $0x1  }
0x89: {  	v4 =	vadd.s32 v1, v4;
	_ =	sdelay $0x1  }
0x8a: {  	v3 =	vperm.xlane v3, v2;
	_ =	sdelay $0x1  }
0x8b: {  	s4 =	simm.s32 $0xD400;
	v3 =	vadd.s32 v1, v3  }
0x8c: {  	[tilespmem:s4], [sflag:$0x2] =	stream.indirect_vreg.gather [hbm4b:s1+s3], $0x80, v4, vm0, $0xb8;
	[tilespmem:$0x1B400] =	vst v63  }
0x8d: {  	s8 =	simm.s32 $0xDC00  }
0x8e: {  	[tilespmem:s8], [sflag:$0x2] =	stream.indirect_vreg.gather [hbm4b:s5+s3], $0x80, v4, vm0, $0xb8;
	[tilespmem:$0x1B400] =	vst v63  }
0x8f: {  	s4 =	simm.s32 $0xE400  }
0x90: {  	[tilespmem:s4], [sflag:$0x2] =	stream.indirect_vreg.gather [hbm4b:s1+s3], $0x80, v3, vm0, $0xb8;
	[tilespmem:$0x1B400] =	vst v63  }
0x91: {  	_ = 	snop  }
0x92: {  	[tilespmem:s12], [sflag:$0x2] =	stream.indirect_vreg.gather [hbm4b:s5+s3], $0x80, v3, vm0, $0xb8;
	[tilespmem:$0x1B400] =	vst v63  }
0x93: {  	v3 =	vld [tilespmem:s26+$0x0];
	_ =	sdelay $0x4  }
0x94: {  	v62 =	vshll.u32 v3, $0x2  }
0x95: {  	v3 =	vand.u32 $0x7, v3;
	v4 =	vand.u32 $0xFFFFFFE0, v62  }
0x96: {  	v3 =	vor.u32 v3, v4  }
0x97: {  	v4 =	vperm.xlane v3, v0;
	_ =	sdelay $0x1  }
0x98: {  	v4 =	vadd.s32 v1, v4;
	_ =	sdelay $0x1  }
0x99: {  	v3 =	vperm.xlane v3, v2;
	_ =	sdelay $0x1  }
0x9a: {  	v3 =	vadd.s32 v1, v3  }
0x9b: {  	[tilespmem:s13], [sflag:$0x2] =	stream.indirect_vreg.gather [hbm4b:s1+s3], $0x80, v4, vm0, $0xb8;
	[tilespmem:$0x1B400] =	vst v63  }
0x9c: {  	_ = 	snop  }
0x9d: {  	[tilespmem:s14], [sflag:$0x2] =	stream.indirect_vreg.gather [hbm4b:s5+s3], $0x80, v4, vm0, $0xb8;
	[tilespmem:$0x1B400] =	vst v63  }
0x9e: {  	_ = 	snop  }
0x9f: {  	[tilespmem:s15], [sflag:$0x2] =	stream.indirect_vreg.gather [hbm4b:s1+s3], $0x80, v3, vm0, $0xb8;
	[tilespmem:$0x1B400] =	vst v63  }
0xa0: {  	_ = 	snop  }
0xa1: {  	[tilespmem:s16], [sflag:$0x2] =	stream.indirect_vreg.gather [hbm4b:s5+s3], $0x80, v3, vm0, $0xb8;
	[tilespmem:$0x1B400] =	vst v63  }
0xa2: {  	v3 =	vld [tilespmem:s26+$0x10];
	_ =	sdelay $0x4  }
0xa3: {  	v63 =	vshll.u32 v3, $0x2  }
0xa4: {  	v3 =	vand.u32 $0x7, v3;
	v4 =	vand.u32 $0xFFFFFFE0, v63  }
0xa5: {  	v3 =	vor.u32 v3, v4  }
0xa6: {  	v4 =	vperm.xlane v3, v0;
	_ =	sdelay $0x1  }
0xa7: {  	v4 =	vadd.s32 v1, v4;
	_ =	sdelay $0x1  }
0xa8: {  	v3 =	vperm.xlane v3, v2;
	_ =	sdelay $0x1  }
0xa9: {  	v3 =	vadd.s32 v1, v3  }
0xaa: {  	[tilespmem:s17], [sflag:$0x2] =	stream.indirect_vreg.gather [hbm4b:s1+s3], $0x80, v4, vm0, $0xb8;
	[tilespmem:$0x1B400] =	vst v63  }
0xab: {  	_ = 	snop  }
0xac: {  	[tilespmem:s18], [sflag:$0x2] =	stream.indirect_vreg.gather [hbm4b:s5+s3], $0x80, v4, vm0, $0xb8;
	[tilespmem:$0x1B400] =	vst v63  }
0xad: {  	_ = 	snop  }
0xae: {  	[tilespmem:s20], [sflag:$0x2] =	stream.indirect_vreg.gather [hbm4b:s1+s3], $0x80, v3, vm0, $0xb8;
	[tilespmem:$0x1B400] =	vst v63  }
0xaf: {  	_ = 	snop  }
0xb0: {  	[tilespmem:s21], [sflag:$0x2] =	stream.indirect_vreg.gather [hbm4b:s5+s3], $0x80, v3, vm0, $0xb8;
	[tilespmem:$0x1B400] =	vst v63  }
0xb1: {  	_ =	swait.ge [sflag:s22], $0x8000  }
0xb2: {  	p0 =	seq.s32 s0, $0x0;
	[sflag:s22] =	ssyncset.done $0x0  }
0xb3: {  	s2 =	simm.s32 @!p0 $0x3;
	[sflag:s22] =	ssyncadd.s32 $0xFFFF8000  }
0xb4: {  	_ =	swait.ge @!p0 [sflag:s2], $0x800  }
0xb5: {  	[sflag:s2] =	ssyncset.done @!p0 $0x0  }
0xb6: {  	[sflag:s2] =	ssyncadd.s32 @!p0 $0xFFFFF800  }
0xb7: {  	[spmem:s6] =	stream.linear.scatter [tilespmem:s11], [sflag:$0x5], $0x4000, $0x38;
	[tilespmem:$0x1B400] =	vst v63  }
0xb8: {  	s29 =	sadd.s32 s0, s9;
	s8 =	stileid.u32;
	_ =	swait.ge [sflag:s10], $0x4000  }
0xb9: {  	s31 =	sshrl.u32 s6, $0x3;
	s2 =	sshll.u32 s8, $0x6;
	[sflag:s10] =	ssyncset.done $0x0  }
0xba: {  	s4 =	simm.s32 @!p0 $0x4;
	s30 =	sor.u32 $0x1C03, s2;
	[sflag:s10] =	ssyncadd.s32 $0xFFFFC000  }
0xbb: {  	[hbm:s29], [sflag:s30] =	dma.local [spmem:s31], $0x800  }
0xbc: {  	_ =	swait.ge @!p0 [sflag:s4], $0x800  }
0xbd: {  	[sflag:s4] =	ssyncset.done @!p0 $0x0  }
0xbe: {  	[sflag:s4] =	ssyncadd.s32 @!p0 $0xFFFFF800;
	p0 =	seq.s32 s0, $0x62000  }
0xbf: {  	[spmem:s7] =	stream.linear.scatter [tilespmem:s19], [sflag:$0x5], $0x4000, $0x38;
	[tilespmem:$0x1B400] =	vst v63  }
.Ltmp4:
0xc0: {  	_ = 	snop;
	(pc) =	sbr.rel @p0 .LBB2_4-.Ltmp4, $4  }
0xc1: {  	_ =	swait.ge [sflag:s10], $0x4000  }
0xc2: {  	s8 =	sadd.s32 $0x800, s29;
	[sflag:s10] =	ssyncset.done $0x0  }
0xc3: {  	s2 =	sor.u32 $0x1C04, s2;
	s4 =	sshrl.u32 s7, $0x3;
	[sflag:s10] =	ssyncadd.s32 $0xFFFFC000  }
0xc4: {  	[hbm:s8], [sflag:s2] =	dma.local [spmem:s4], $0x800  }
0xc5: {  	v3 =	vld [tilespmem:s26+$0x60];
	_ =	sdelay $0x4  }
0xc6: {  	v4 =	vshll.u32 v3, $0x2  }
0xc7: {  	v3 =	vand.u32 $0x7, v3;
	v4 =	vand.u32 $0xFFFFFFE0, v4  }
0xc8: {  	v3 =	vor.u32 v3, v4  }
0xc9: {  	v4 =	vperm.xlane v3, v0;
	_ =	sdelay $0x1  }
0xca: {  	v4 =	vadd.s32 v1, v4;
	_ =	sdelay $0x1  }
0xcb: {  	v3 =	vperm.xlane v3, v2;
	_ =	sdelay $0x1  }
0xcc: {  	v3 =	vadd.s32 v1, v3  }
0xcd: {  	[tilespmem:s11], [sflag:$0x1] =	stream.indirect_vreg.gather [hbm4b:s1+s3], $0x80, v4, vm0, $0xb8;
	[tilespmem:$0x1B400] =	vst v63  }
0xce: {  	s8 =	simm.s32 $0x3C00  }
0xcf: {  	[tilespmem:s8], [sflag:$0x1] =	stream.indirect_vreg.gather [hbm4b:s5+s3], $0x80, v4, vm0, $0xb8;
	[tilespmem:$0x1B400] =	vst v63  }
0xd0: {  	s8 =	simm.s32 $0x4400  }
0xd1: {  	[tilespmem:s8], [sflag:$0x1] =	stream.indirect_vreg.gather [hbm4b:s1+s3], $0x80, v3, vm0, $0xb8;
	[tilespmem:$0x1B400] =	vst v63  }
0xd2: {  	s8 =	simm.s32 $0x4C00  }
0xd3: {  	[tilespmem:s8], [sflag:$0x1] =	stream.indirect_vreg.gather [hbm4b:s5+s3], $0x80, v3, vm0, $0xb8;
	[tilespmem:$0x1B400] =	vst v63  }
0xd4: {  	v3 =	vld [tilespmem:s26+$0x70];
	_ =	sdelay $0x4  }
0xd5: {  	v61 =	vshll.u32 v3, $0x2  }
0xd6: {  	v3 =	vand.u32 $0x7, v3;
	v4 =	vand.u32 $0xFFFFFFE0, v61  }
0xd7: {  	v3 =	vor.u32 v3, v4  }
0xd8: {  	v4 =	vperm.xlane v3, v0;
	_ =	sdelay $0x1  }
0xd9: {  	v4 =	vadd.s32 v1, v4;
	_ =	sdelay $0x1  }
0xda: {  	v3 =	vperm.xlane v3, v2;
	_ =	sdelay $0x1  }
0xdb: {  	s8 =	simm.s32 $0x5400;
	v3 =	vadd.s32 v1, v3  }
0xdc: {  	[tilespmem:s8], [sflag:$0x1] =	stream.indirect_vreg.gather [hbm4b:s1+s3], $0x80, v4, vm0, $0xb8;
	[tilespmem:$0x1B400] =	vst v63  }
0xdd: {  	s8 =	simm.s32 $0x5C00  }
0xde: {  	[tilespmem:s8], [sflag:$0x1] =	stream.indirect_vreg.gather [hbm4b:s5+s3], $0x80, v4, vm0, $0xb8;
	[tilespmem:$0x1B400] =	vst v63  }
0xdf: {  	s8 =	simm.s32 $0x6400  }
0xe0: {  	[tilespmem:s8], [sflag:$0x1] =	stream.indirect_vreg.gather [hbm4b:s1+s3], $0x80, v3, vm0, $0xb8;
	[tilespmem:$0x1B400] =	vst v63  }
0xe1: {  	s8 =	simm.s32 $0x6C00  }
0xe2: {  	[tilespmem:s8], [sflag:$0x1] =	stream.indirect_vreg.gather [hbm4b:s5+s3], $0x80, v3, vm0, $0xb8;
	[tilespmem:$0x1B400] =	vst v63  }
0xe3: {  	v3 =	vld [tilespmem:s26+$0x80];
	_ =	sdelay $0x4  }
0xe4: {  	v62 =	vshll.u32 v3, $0x2  }
0xe5: {  	v3 =	vand.u32 $0x7, v3;
	v4 =	vand.u32 $0xFFFFFFE0, v62  }
0xe6: {  	v3 =	vor.u32 v3, v4  }
0xe7: {  	v4 =	vperm.xlane v3, v0;
	_ =	sdelay $0x1  }
0xe8: {  	v4 =	vadd.s32 v1, v4;
	_ =	sdelay $0x1  }
0xe9: {  	v3 =	vperm.xlane v3, v2;
	_ =	sdelay $0x1  }
0xea: {  	v3 =	vadd.s32 v1, v3  }
0xeb: {  	[tilespmem:s19], [sflag:$0x1] =	stream.indirect_vreg.gather [hbm4b:s1+s3], $0x80, v4, vm0, $0xb8;
	[tilespmem:$0x1B400] =	vst v63  }
0xec: {  	s8 =	simm.s32 $0x7C00  }
0xed: {  	[tilespmem:s8], [sflag:$0x1] =	stream.indirect_vreg.gather [hbm4b:s5+s3], $0x80, v4, vm0, $0xb8;
	[tilespmem:$0x1B400] =	vst v63  }
0xee: {  	s8 =	simm.s32 $0x8400  }
0xef: {  	[tilespmem:s8], [sflag:$0x1] =	stream.indirect_vreg.gather [hbm4b:s1+s3], $0x80, v3, vm0, $0xb8;
	[tilespmem:$0x1B400] =	vst v63  }
0xf0: {  	s8 =	simm.s32 $0x8C00  }
0xf1: {  	[tilespmem:s8], [sflag:$0x1] =	stream.indirect_vreg.gather [hbm4b:s5+s3], $0x80, v3, vm0, $0xb8;
	[tilespmem:$0x1B400] =	vst v63  }
0xf2: {  	v3 =	vld [tilespmem:s26+$0x90];
	_ =	sdelay $0x4  }
0xf3: {  	v63 =	vshll.u32 v3, $0x2  }
0xf4: {  	v3 =	vand.u32 $0x7, v3;
	v4 =	vand.u32 $0xFFFFFFE0, v63  }
0xf5: {  	v3 =	vor.u32 v3, v4  }
0xf6: {  	v4 =	vperm.xlane v3, v0;
	_ =	sdelay $0x1  }
0xf7: {  	v4 =	vadd.s32 v1, v4;
	_ =	sdelay $0x2  }
0xf8: {  	v3 =	vperm.xlane v3, v2  }
0xf9: {  	s8 =	simm.s32 $0x9400  }
0xfa: {  	v3 =	vadd.s32 v1, v3;
	[tilespmem:s8], [sflag:$0x1] =	stream.indirect_vreg.gather [hbm4b:s1+s3], $0x80, v4, vm0, $0xb8;
	[tilespmem:$0x1B400] =	vst v63  }
0xfb: {  	s8 =	simm.s32 $0x9C00  }
0xfc: {  	[tilespmem:s8], [sflag:$0x1] =	stream.indirect_vreg.gather [hbm4b:s5+s3], $0x80, v4, vm0, $0xb8;
	[tilespmem:$0x1B400] =	vst v63  }
.Ltmp5:
0xfd: {  	_ = 	snop;
	(pc) =	sbr.rel .LBB2_4-.Ltmp5, $4  }
0xfe: {  	s8 =	simm.s32 $0xA400  }
0xff: {  	[tilespmem:s8], [sflag:$0x1] =	stream.indirect_vreg.gather [hbm4b:s1+s3], $0x80, v3, vm0, $0xb8;
	[tilespmem:$0x1B400] =	vst v63  }
0x100: {  	s8 =	simm.s32 $0xAC00  }
0x101: {  	[tilespmem:s8], [sflag:$0x1] =	stream.indirect_vreg.gather [hbm4b:s5+s3], $0x80, v3, vm0, $0xb8;
	[tilespmem:$0x1B400] =	vst v63  }
.LBB2_6:
0x102: {  	_ =	sfence.sel $0x180000  }
0x103: {  	[bflag:$0x0] =	sbarrier.arrive $0xFFFF  }
0x104: {  	_ =	strace $0x90000047  }
0x105: {  	s0 =	stileid.u32;
	[bflag:$0x2] =	sbarrier.arrive $0xFFFF  }
0x106: {  	p0 =	sne.s32 s0, $0x0;
	s0 =	rddreg [dreg:$0x4]  }
0x107: {  	s0 =	sadd.s32 @!p0 $0x100000, s0  }
0x108: {  	[sflag:s0] =	ssyncadd.tile.s32 @!p0 $0x1;
	_ =	shalt  }
.Lfunc_end2:
_tile_overlayer_lowered:
.L_overlay_start_2:
0x109: {  	(tag) =	ssettag $0x2  }
0x10a: {  	s0 =	rddreg [dreg:$0x0];
	s2 =	stileid.u32  }
0x10b: {  	s1 =	rddreg [dreg:$0x1];
	p0 =	sne.s32 s2, $0x0  }
0x10c: {  	s3 =	rddreg [dreg:$0x2];
	[bflag:$0x3] =	sbarrier.arrive $0xFFFF;
	s2 =	simm.s32 @!p0 $0x1C05  }
0x10d: {  	[timem:s3], [sflag:s2] =	dma.local @!p0 [hbm:s0], s1  }
0x10e: {  	s0 =	simm.s32 @!p0 $0x5  }
0x10f: {  	_ =	swait.ge @!p0 [sflag:s0], s1  }
0x110: {  	s1 =	ssub.s32 @!p0 $0x0, s1;
	[sflag:s0] =	ssyncset.done @!p0 $0x0  }
0x111: {  	[sflag:s0] =	ssyncadd.s32 @!p0 s1  }
0x112: {  	[bflag:$0x3] =	sbarrier.arrive $0xFFFF  }
0x113: {  	_ =	shalt  }

</sc_bundles>
